<compile_context>
chip_gen: v7x
topology: tpu7x:2x2x1
jax: 0.10.2.dev20260603
libtpu: 0.0.44.dev20260713+nightly
codegen_flags: <defaults>
</compile_context>

<pallas_src>
import jax
import jax.numpy as jnp
from jax import lax
from jax.experimental import pallas as pl
from jax.experimental.pallas import tpu as pltpu
from jax.experimental.pallas import tpu_sc as plsc

NUM_CORES = 2
NUM_SUBCORES = 16
NUM_WORKERS = NUM_CORES * NUM_SUBCORES

RSTEP = 8
NBUF = 4
FPAD = 32
SLAB = RSTEP * FPAD


def kernel(x, weight):
    batch, fields = x.shape
    dim = weight.shape[1]
    xi = x.astype(jnp.int32)
    idx = jnp.pad(
        jnp.concatenate([xi, xi[:, : FPAD - fields]], axis=1),
        ((0, 0), (0, 128 - FPAD)),
    )

    rows_pw = batch // NUM_WORKERS
    steps = rows_pw // RSTEP

    mesh = plsc.VectorSubcoreMesh(core_axis_name="core", subcore_axis_name="subcore")

    @pl.kernel(
        out_type=jax.ShapeDtypeStruct((batch * FPAD, 128), weight.dtype),
        mesh=mesh,
        scratch_types=[
            pltpu.VMEM((rows_pw, FPAD), jnp.int32),
        ]
        + [pltpu.VMEM((SLAB, dim), jnp.float32) for _ in range(NBUF)]
        + [pltpu.SemaphoreType.DMA for _ in range(2 * NBUF)],
        compiler_params=pltpu.CompilerParams(use_tc_tiling_on_sc=False),
    )
    def gather_kernel(w_hbm, i_hbm, o_hbm, idx_v, *bufs_and_sems):
        rows = bufs_and_sems[:NBUF]
        sgs = bufs_and_sems[NBUF : 2 * NBUF]
        sos = bufs_and_sems[2 * NBUF : 3 * NBUF]
        wid = lax.axis_index("subcore") * NUM_CORES + lax.axis_index("core")
        row0 = wid * rows_pw
        pltpu.sync_copy(i_hbm.at[pl.ds(row0, rows_pw), pl.ds(0, FPAD)], idx_v)

        def fire(step, rows_v, sg):
            @pl.loop(0, RSTEP)
            def _(r):
                pltpu.async_copy(
                    w_hbm.at[idx_v.at[step * RSTEP + r, pl.ds(0, FPAD)]],
                    rows_v.at[pl.ds(r * FPAD, FPAD)],
                    sg,
                )

        def drain_gather(rows_v, sg):
            pltpu.make_async_copy(w_hbm.at[pl.ds(0, SLAB)], rows_v, sg).wait()

        def store(step, rows_v, so):
            pltpu.async_copy(
                rows_v,
                o_hbm.at[pl.ds((row0 + step * RSTEP) * FPAD, SLAB), pl.ds(0, dim)],
                so,
            )

        def wait_store(rows_v, so):
            pltpu.make_async_copy(
                rows_v, o_hbm.at[pl.ds(0, SLAB), pl.ds(0, dim)], so
            ).wait()

        fire(0, rows[0], sgs[0])

        @pl.loop(0, steps, step=NBUF)
        def _(s):
            for j in range(NBUF):
                ss = s + j
                jn = (j + 1) % NBUF

                @pl.when(ss + 1 < steps)
                def _():
                    @pl.when(ss + 1 >= NBUF)
                    def _():
                        wait_store(rows[jn], sos[jn])

                    fire(ss + 1, rows[jn], sgs[jn])

                drain_gather(rows[j], sgs[j])
                store(ss, rows[j], sos[j])

        for j in range(NBUF):
            wait_store(rows[j], sos[j])

    out = gather_kernel(weight, idx)
    return out.reshape(batch, FPAD, 128)[:, :fields, :dim]

# --- scband reference (transcript-rebuilt; emitter-appended) ---
"""Pipeline reference for scband-embedding-12275016532413 (READ-ONLY COPY).

The authoritative reference and input builder live on the scoring server;
editing this copy changes nothing except your own understanding.
"""

import jax, jax.numpy as jnp
import numpy as np

NUM_EMBEDDINGS = 1000000
EMBEDDING_DIM = 64
BATCH = 16384
FIELDS = 26

def setup_inputs(seed: int = 0) -> dict:
    key = jax.random.key(seed)
    k_idx, k_w = jax.random.split(key)
    x = jax.random.randint(k_idx, (BATCH, FIELDS), 0, NUM_EMBEDDINGS, dtype=jnp.int64 if jax.config.jax_enable_x64 else jnp.int32)
    weight = jax.random.normal(k_w, (NUM_EMBEDDINGS, EMBEDDING_DIM), dtype=jnp.float32) * 0.02
    return {"x": x, "weight": weight}

def reference(x, weight):
    # F.embedding(x, weight) == gather rows of weight by x
    output = jnp.take(weight, x, axis=0)
    return output

if __name__ == "__main__":
    import jax
    _d = setup_inputs()
    print(jax.jit(kernel)(*tuple(_d.values())))

</pallas_src>

<mosaic_0001>
#map = affine_map<(d0, d1) -> (0, 0)>
module attributes {stable_mosaic.version = 14 : i64} {
  func.func @gather_kernel(%arg0: i32, %arg1: i32, %arg2: memref<1000000x64xf32, #tpu.memory_space<hbm>>, %arg3: memref<16384x128xi32, #tpu.memory_space<hbm>>, %arg4: memref<524288x128xf32, #tpu.memory_space<hbm>>, %arg5: memref<512x32xi32, #tpu.memory_space<vmem>>, %arg6: memref<256x64xf32, #tpu.memory_space<vmem>>, %arg7: memref<256x64xf32, #tpu.memory_space<vmem>>, %arg8: memref<256x64xf32, #tpu.memory_space<vmem>>, %arg9: memref<256x64xf32, #tpu.memory_space<vmem>>, %arg10: memref<!tpu.dma_semaphore, #tpu.memory_space<semaphore_mem>>, %arg11: memref<!tpu.dma_semaphore, #tpu.memory_space<semaphore_mem>>, %arg12: memref<!tpu.dma_semaphore, #tpu.memory_space<semaphore_mem>>, %arg13: memref<!tpu.dma_semaphore, #tpu.memory_space<semaphore_mem>>, %arg14: memref<!tpu.dma_semaphore, #tpu.memory_space<semaphore_mem>>, %arg15: memref<!tpu.dma_semaphore, #tpu.memory_space<semaphore_mem>>, %arg16: memref<!tpu.dma_semaphore, #tpu.memory_space<semaphore_mem>>, %arg17: memref<!tpu.dma_semaphore, #tpu.memory_space<semaphore_mem>>) attributes {dimension_semantics = [#tpu.dimension_semantics<core_parallel>, #tpu.dimension_semantics<subcore_parallel>], iteration_bounds = array<i64: 2, 16>, scalar_prefetch = 0 : i64, scratch_operands = 13 : i64, tpu.core_type = #tpu.core_type<sc_vector_subcore>, window_params = [{transform_indices = #map}, {transform_indices = #map}, {transform_indices = #map}]} {
    %mul3A = arith.constant 2 : i32
    %mul3A_0 = arith.muli %arg1, %mul3A : i32
    %add3A = arith.addi %mul3A_0, %arg0 : i32
    %mul3A_1 = arith.constant 512 : i32
    %mul3A_2 = arith.muli %add3A, %mul3A_1 : i32
    "tpu.region"() ({
      %run_scoped3A = tpu.sem_alloc : memref<!tpu.dma_semaphore, #tpu.memory_space<semaphore_mem>>
      %dma_start3A = arith.constant 0 : i32
      %dma_start3A_35 = tpu.memref_slice %arg3[%mul3A_2, %dma_start3A] : memref<16384x128xi32, #tpu.memory_space<hbm>> -> memref<512x32xi32, #tpu.memory_space<hbm>>
      %dma_start3A_36 = arith.constant 0 : i32
      %dma_start3A_37 = tpu.memref_slice %arg3[%mul3A_2, %dma_start3A_36] : memref<16384x128xi32, #tpu.memory_space<hbm>> -> memref<512x32xi32, #tpu.memory_space<hbm>>
      tpu.enqueue_dma source(%dma_start3A_37 : memref<512x32xi32, #tpu.memory_space<hbm>>) target(%arg5 : memref<512x32xi32, #tpu.memory_space<vmem>>) target_semaphore(%run_scoped3A : memref<!tpu.dma_semaphore, #tpu.memory_space<semaphore_mem>>)
      %dma_wait3A_38 = arith.constant 0 : i32
      %dma_wait3A_39 = tpu.memref_slice %arg3[%mul3A_2, %dma_wait3A_38] : memref<16384x128xi32, #tpu.memory_space<hbm>> -> memref<512x32xi32, #tpu.memory_space<hbm>>
      %dma_wait3A_40 = arith.constant 0 : i32
      %dma_wait3A_41 = tpu.memref_slice %arg3[%mul3A_2, %dma_wait3A_40] : memref<16384x128xi32, #tpu.memory_space<hbm>> -> memref<512x32xi32, #tpu.memory_space<hbm>>
      tpu.wait_dma2 semaphore(%run_scoped3A : memref<!tpu.dma_semaphore, #tpu.memory_space<semaphore_mem>>) src(%dma_wait3A_41 : memref<512x32xi32, #tpu.memory_space<hbm>>) dst(%arg5 : memref<512x32xi32, #tpu.memory_space<vmem>>)
      tpu.yield
    }) : () -> ()
    %scan3A = arith.constant 0 : i32
    %scan3A_3 = arith.constant 8 : i32
    %scan3A_4 = arith.addi %scan3A, %scan3A_3 : i32
    %scan3A_5 = arith.constant 1 : i32
    scf.for %scan3A_35 = %scan3A to %scan3A_4 step %scan3A_5  : i32 {
      %mul3A_36 = arith.constant 1 : i32
      %mul3A_37 = arith.muli %scan3A_35, %mul3A_36 : i32
      %add3A_38 = arith.constant 0 : i32
      %add3A_39 = arith.addi %add3A_38, %mul3A_37 : i32
      %add3A_40 = arith.constant 0 : i32
      %add3A_41 = arith.addi %add3A_40, %add3A_39 : i32
      %mul3A_42 = arith.constant 32 : i32
      %mul3A_43 = arith.muli %add3A_39, %mul3A_42 : i32
      %dma_start3A = arith.constant 0 : i32
      %dma_start3A_44 = tpu.memref_slice %arg6[%mul3A_43, %dma_start3A] : memref<256x64xf32, #tpu.memory_space<vmem>> -> memref<32x64xf32, #tpu.memory_space<vmem>>
      %dma_start3A_45 = arith.constant 0 : i32
      %dma_start3A_46 = tpu.memref_slice %arg5[%add3A_41, %dma_start3A_45] : memref<512x32xi32, #tpu.memory_space<vmem>> -> memref<1x32xi32, #tpu.memory_space<vmem>>
      %dma_start3A_47 = tpu.memref_squeeze %dma_start3A_46 : memref<1x32xi32, #tpu.memory_space<vmem>> -> memref<32xi32, #tpu.memory_space<vmem>>
      %dma_start3A_48 = arith.constant 0 : i32
      %dma_start3A_49 = arith.constant 0 : i32
      %dma_start3A_50 = tpu.memref_slice %arg2[%dma_start3A_48, %dma_start3A_49] : memref<1000000x64xf32, #tpu.memory_space<hbm>> -> memref<1000000x64xf32, #tpu.memory_space<hbm>>
      tpu.enqueue_indirect_dma source(%dma_start3A_50 : memref<1000000x64xf32, #tpu.memory_space<hbm>>) target(%dma_start3A_44 : memref<32x64xf32, #tpu.memory_space<vmem>>) offsets(%dma_start3A_47 : memref<32xi32, #tpu.memory_space<vmem>>) semaphore(%arg10 : memref<!tpu.dma_semaphore, #tpu.memory_space<semaphore_mem>>)
    }
    %scan3A_6 = arith.constant 8 : i32
    %scan3A_7 = arith.constant 0 : i32
    %scan3A_8 = arith.constant 16 : i32
    %scan3A_9 = arith.addi %scan3A_7, %scan3A_8 : i32
    %scan3A_10 = arith.constant 1 : i32
    scf.for %scan3A_35 = %scan3A_7 to %scan3A_9 step %scan3A_10  : i32 {
      %mul3A_36 = arith.constant 4 : i32
      %mul3A_37 = arith.muli %scan3A_35, %mul3A_36 : i32
      %add3A_38 = arith.constant 0 : i32
      %add3A_39 = arith.addi %add3A_38, %mul3A_37 : i32
      %add3A_40 = arith.constant 0 : i32
      %add3A_41 = arith.addi %add3A_39, %add3A_40 : i32
      %add3A_42 = arith.constant 1 : i32
      %add3A_43 = arith.addi %add3A_41, %add3A_42 : i32
      %lt3A = arith.constant 64 : i32
      %lt3A_44 = arith.cmpi slt, %add3A_43, %lt3A : i32
      %convert_element_type3A = arith.extui %lt3A_44 : i1 to i32
      %cond3A = arith.constant 0 : i32
      %cond3A_45 = arith.cmpi ne, %convert_element_type3A, %cond3A : i32
      scf.if %cond3A_45 {
        %add3A_132 = arith.constant 1 : i32
        %add3A_133 = arith.addi %add3A_41, %add3A_132 : i32
        %ge3A = arith.constant 4 : i32
        %ge3A_134 = arith.cmpi sge, %add3A_133, %ge3A : i32
        %convert_element_type3A_135 = arith.extui %ge3A_134 : i1 to i32
        %cond3A_136 = arith.constant 0 : i32
        %cond3A_137 = arith.cmpi ne, %convert_element_type3A_135, %cond3A_136 : i32
        scf.if %cond3A_137 {
          %dma_wait3A_145 = arith.constant 0 : i32
          %dma_wait3A_146 = arith.constant 0 : i32
          %dma_wait3A_147 = tpu.memref_slice %arg4[%dma_wait3A_145, %dma_wait3A_146] : memref<524288x128xf32, #tpu.memory_space<hbm>> -> memref<256x64xf32, #tpu.memory_space<hbm>>
          %dma_wait3A_148 = arith.constant 0 : i32
          %dma_wait3A_149 = arith.constant 0 : i32
          %dma_wait3A_150 = tpu.memref_slice %arg4[%dma_wait3A_148, %dma_wait3A_149] : memref<524288x128xf32, #tpu.memory_space<hbm>> -> memref<256x64xf32, #tpu.memory_space<hbm>>
          tpu.wait_dma2 semaphore(%arg15 : memref<!tpu.dma_semaphore, #tpu.memory_space<semaphore_mem>>) src(%arg7 : memref<256x64xf32, #tpu.memory_space<vmem>>) dst(%dma_wait3A_150 : memref<256x64xf32, #tpu.memory_space<hbm>>)
        } else {
        }
        %add3A_138 = arith.constant 1 : i32
        %add3A_139 = arith.addi %add3A_41, %add3A_138 : i32
        %scan3A_140 = arith.constant 0 : i32
        %scan3A_141 = arith.constant 8 : i32
        %scan3A_142 = arith.addi %scan3A_140, %scan3A_141 : i32
        %scan3A_143 = arith.constant 1 : i32
        scf.for %scan3A_145 = %scan3A_140 to %scan3A_142 step %scan3A_143  : i32 {
          %mul3A_146 = arith.constant 1 : i32
          %mul3A_147 = arith.muli %scan3A_145, %mul3A_146 : i32
          %add3A_148 = arith.constant 0 : i32
          %add3A_149 = arith.addi %add3A_148, %mul3A_147 : i32
          %mul3A_150 = arith.constant 8 : i32
          %mul3A_151 = arith.muli %add3A_139, %mul3A_150 : i32
          %add3A_152 = arith.addi %mul3A_151, %add3A_149 : i32
          %mul3A_153 = arith.constant 32 : i32
          %mul3A_154 = arith.muli %add3A_149, %mul3A_153 : i32
          %dma_start3A_155 = arith.constant 0 : i32
          %dma_start3A_156 = tpu.memref_slice %arg7[%mul3A_154, %dma_start3A_155] : memref<256x64xf32, #tpu.memory_space<vmem>> -> memref<32x64xf32, #tpu.memory_space<vmem>>
          %dma_start3A_157 = arith.constant 0 : i32
          %dma_start3A_158 = tpu.memref_slice %arg5[%add3A_152, %dma_start3A_157] : memref<512x32xi32, #tpu.memory_space<vmem>> -> memref<1x32xi32, #tpu.memory_space<vmem>>
          %dma_start3A_159 = tpu.memref_squeeze %dma_start3A_158 : memref<1x32xi32, #tpu.memory_space<vmem>> -> memref<32xi32, #tpu.memory_space<vmem>>
          %dma_start3A_160 = arith.constant 0 : i32
          %dma_start3A_161 = arith.constant 0 : i32
          %dma_start3A_162 = tpu.memref_slice %arg2[%dma_start3A_160, %dma_start3A_161] : memref<1000000x64xf32, #tpu.memory_space<hbm>> -> memref<1000000x64xf32, #tpu.memory_space<hbm>>
          tpu.enqueue_indirect_dma source(%dma_start3A_162 : memref<1000000x64xf32, #tpu.memory_space<hbm>>) target(%dma_start3A_156 : memref<32x64xf32, #tpu.memory_space<vmem>>) offsets(%dma_start3A_159 : memref<32xi32, #tpu.memory_space<vmem>>) semaphore(%arg11 : memref<!tpu.dma_semaphore, #tpu.memory_space<semaphore_mem>>)
        }
        %scan3A_144 = arith.constant 8 : i32
      } else {
      }
      %dma_wait3A_46 = arith.constant 0 : i32
      %dma_wait3A_47 = arith.constant 0 : i32
      %dma_wait3A_48 = tpu.memref_slice %arg2[%dma_wait3A_46, %dma_wait3A_47] : memref<1000000x64xf32, #tpu.memory_space<hbm>> -> memref<256x64xf32, #tpu.memory_space<hbm>>
      %dma_wait3A_49 = arith.constant 0 : i32
      %dma_wait3A_50 = arith.constant 0 : i32
      %dma_wait3A_51 = tpu.memref_slice %arg2[%dma_wait3A_49, %dma_wait3A_50] : memref<1000000x64xf32, #tpu.memory_space<hbm>> -> memref<256x64xf32, #tpu.memory_space<hbm>>
      tpu.wait_dma2 semaphore(%arg10 : memref<!tpu.dma_semaphore, #tpu.memory_space<semaphore_mem>>) src(%dma_wait3A_51 : memref<256x64xf32, #tpu.memory_space<hbm>>) dst(%arg6 : memref<256x64xf32, #tpu.memory_space<vmem>>)
      %mul3A_52 = arith.constant 8 : i32
      %mul3A_53 = arith.muli %add3A_41, %mul3A_52 : i32
      %add3A_54 = arith.addi %mul3A_2, %mul3A_53 : i32
      %mul3A_55 = arith.constant 32 : i32
      %mul3A_56 = arith.muli %add3A_54, %mul3A_55 : i32
      %dma_start3A = arith.constant 0 : i32
      %dma_start3A_57 = tpu.memref_slice %arg4[%mul3A_56, %dma_start3A] : memref<524288x128xf32, #tpu.memory_space<hbm>> -> memref<256x64xf32, #tpu.memory_space<hbm>>
      %dma_start3A_58 = arith.constant 0 : i32
      %dma_start3A_59 = tpu.memref_slice %arg4[%mul3A_56, %dma_start3A_58] : memref<524288x128xf32, #tpu.memory_space<hbm>> -> memref<256x64xf32, #tpu.memory_space<hbm>>
      tpu.enqueue_dma source(%arg6 : memref<256x64xf32, #tpu.memory_space<vmem>>) target(%dma_start3A_59 : memref<256x64xf32, #tpu.memory_space<hbm>>) target_semaphore(%arg14 : memref<!tpu.dma_semaphore, #tpu.memory_space<semaphore_mem>>)
      %add3A_60 = arith.constant 1 : i32
      %add3A_61 = arith.addi %add3A_39, %add3A_60 : i32
      %add3A_62 = arith.constant 1 : i32
      %add3A_63 = arith.addi %add3A_61, %add3A_62 : i32
      %lt3A_64 = arith.constant 64 : i32
      %lt3A_65 = arith.cmpi slt, %add3A_63, %lt3A_64 : i32
      %convert_element_type3A_66 = arith.extui %lt3A_65 : i1 to i32
      %cond3A_67 = arith.constant 0 : i32
      %cond3A_68 = arith.cmpi ne, %convert_element_type3A_66, %cond3A_67 : i32
      scf.if %cond3A_68 {
        %add3A_132 = arith.constant 1 : i32
        %add3A_133 = arith.addi %add3A_61, %add3A_132 : i32
        %ge3A = arith.constant 4 : i32
        %ge3A_134 = arith.cmpi sge, %add3A_133, %ge3A : i32
        %convert_element_type3A_135 = arith.extui %ge3A_134 : i1 to i32
        %cond3A_136 = arith.constant 0 : i32
        %cond3A_137 = arith.cmpi ne, %convert_element_type3A_135, %cond3A_136 : i32
        scf.if %cond3A_137 {
          %dma_wait3A_145 = arith.constant 0 : i32
          %dma_wait3A_146 = arith.constant 0 : i32
          %dma_wait3A_147 = tpu.memref_slice %arg4[%dma_wait3A_145, %dma_wait3A_146] : memref<524288x128xf32, #tpu.memory_space<hbm>> -> memref<256x64xf32, #tpu.memory_space<hbm>>
          %dma_wait3A_148 = arith.constant 0 : i32
          %dma_wait3A_149 = arith.constant 0 : i32
          %dma_wait3A_150 = tpu.memref_slice %arg4[%dma_wait3A_148, %dma_wait3A_149] : memref<524288x128xf32, #tpu.memory_space<hbm>> -> memref<256x64xf32, #tpu.memory_space<hbm>>
          tpu.wait_dma2 semaphore(%arg16 : memref<!tpu.dma_semaphore, #tpu.memory_space<semaphore_mem>>) src(%arg8 : memref<256x64xf32, #tpu.memory_space<vmem>>) dst(%dma_wait3A_150 : memref<256x64xf32, #tpu.memory_space<hbm>>)
        } else {
        }
        %add3A_138 = arith.constant 1 : i32
        %add3A_139 = arith.addi %add3A_61, %add3A_138 : i32
        %scan3A_140 = arith.constant 0 : i32
        %scan3A_141 = arith.constant 8 : i32
        %scan3A_142 = arith.addi %scan3A_140, %scan3A_141 : i32
        %scan3A_143 = arith.constant 1 : i32
        scf.for %scan3A_145 = %scan3A_140 to %scan3A_142 step %scan3A_143  : i32 {
          %mul3A_146 = arith.constant 1 : i32
          %mul3A_147 = arith.muli %scan3A_145, %mul3A_146 : i32
          %add3A_148 = arith.constant 0 : i32
          %add3A_149 = arith.addi %add3A_148, %mul3A_147 : i32
          %mul3A_150 = arith.constant 8 : i32
          %mul3A_151 = arith.muli %add3A_139, %mul3A_150 : i32
          %add3A_152 = arith.addi %mul3A_151, %add3A_149 : i32
          %mul3A_153 = arith.constant 32 : i32
          %mul3A_154 = arith.muli %add3A_149, %mul3A_153 : i32
          %dma_start3A_155 = arith.constant 0 : i32
          %dma_start3A_156 = tpu.memref_slice %arg8[%mul3A_154, %dma_start3A_155] : memref<256x64xf32, #tpu.memory_space<vmem>> -> memref<32x64xf32, #tpu.memory_space<vmem>>
          %dma_start3A_157 = arith.constant 0 : i32
          %dma_start3A_158 = tpu.memref_slice %arg5[%add3A_152, %dma_start3A_157] : memref<512x32xi32, #tpu.memory_space<vmem>> -> memref<1x32xi32, #tpu.memory_space<vmem>>
          %dma_start3A_159 = tpu.memref_squeeze %dma_start3A_158 : memref<1x32xi32, #tpu.memory_space<vmem>> -> memref<32xi32, #tpu.memory_space<vmem>>
          %dma_start3A_160 = arith.constant 0 : i32
          %dma_start3A_161 = arith.constant 0 : i32
          %dma_start3A_162 = tpu.memref_slice %arg2[%dma_start3A_160, %dma_start3A_161] : memref<1000000x64xf32, #tpu.memory_space<hbm>> -> memref<1000000x64xf32, #tpu.memory_space<hbm>>
          tpu.enqueue_indirect_dma source(%dma_start3A_162 : memref<1000000x64xf32, #tpu.memory_space<hbm>>) target(%dma_start3A_156 : memref<32x64xf32, #tpu.memory_space<vmem>>) offsets(%dma_start3A_159 : memref<32xi32, #tpu.memory_space<vmem>>) semaphore(%arg12 : memref<!tpu.dma_semaphore, #tpu.memory_space<semaphore_mem>>)
        }
        %scan3A_144 = arith.constant 8 : i32
      } else {
      }
      %dma_wait3A_69 = arith.constant 0 : i32
      %dma_wait3A_70 = arith.constant 0 : i32
      %dma_wait3A_71 = tpu.memref_slice %arg2[%dma_wait3A_69, %dma_wait3A_70] : memref<1000000x64xf32, #tpu.memory_space<hbm>> -> memref<256x64xf32, #tpu.memory_space<hbm>>
      %dma_wait3A_72 = arith.constant 0 : i32
      %dma_wait3A_73 = arith.constant 0 : i32
      %dma_wait3A_74 = tpu.memref_slice %arg2[%dma_wait3A_72, %dma_wait3A_73] : memref<1000000x64xf32, #tpu.memory_space<hbm>> -> memref<256x64xf32, #tpu.memory_space<hbm>>
      tpu.wait_dma2 semaphore(%arg11 : memref<!tpu.dma_semaphore, #tpu.memory_space<semaphore_mem>>) src(%dma_wait3A_74 : memref<256x64xf32, #tpu.memory_space<hbm>>) dst(%arg7 : memref<256x64xf32, #tpu.memory_space<vmem>>)
      %mul3A_75 = arith.constant 8 : i32
      %mul3A_76 = arith.muli %add3A_61, %mul3A_75 : i32
      %add3A_77 = arith.addi %mul3A_2, %mul3A_76 : i32
      %mul3A_78 = arith.constant 32 : i32
      %mul3A_79 = arith.muli %add3A_77, %mul3A_78 : i32
      %dma_start3A_80 = arith.constant 0 : i32
      %dma_start3A_81 = tpu.memref_slice %arg4[%mul3A_79, %dma_start3A_80] : memref<524288x128xf32, #tpu.memory_space<hbm>> -> memref<256x64xf32, #tpu.memory_space<hbm>>
      %dma_start3A_82 = arith.constant 0 : i32
      %dma_start3A_83 = tpu.memref_slice %arg4[%mul3A_79, %dma_start3A_82] : memref<524288x128xf32, #tpu.memory_space<hbm>> -> memref<256x64xf32, #tpu.memory_space<hbm>>
      tpu.enqueue_dma source(%arg7 : memref<256x64xf32, #tpu.memory_space<vmem>>) target(%dma_start3A_83 : memref<256x64xf32, #tpu.memory_space<hbm>>) target_semaphore(%arg15 : memref<!tpu.dma_semaphore, #tpu.memory_space<semaphore_mem>>)
      %add3A_84 = arith.constant 2 : i32
      %add3A_85 = arith.addi %add3A_39, %add3A_84 : i32
      %add3A_86 = arith.constant 1 : i32
      %add3A_87 = arith.addi %add3A_85, %add3A_86 : i32
      %lt3A_88 = arith.constant 64 : i32
      %lt3A_89 = arith.cmpi slt, %add3A_87, %lt3A_88 : i32
      %convert_element_type3A_90 = arith.extui %lt3A_89 : i1 to i32
      %cond3A_91 = arith.constant 0 : i32
      %cond3A_92 = arith.cmpi ne, %convert_element_type3A_90, %cond3A_91 : i32
      scf.if %cond3A_92 {
        %add3A_132 = arith.constant 1 : i32
        %add3A_133 = arith.addi %add3A_85, %add3A_132 : i32
        %ge3A = arith.constant 4 : i32
        %ge3A_134 = arith.cmpi sge, %add3A_133, %ge3A : i32
        %convert_element_type3A_135 = arith.extui %ge3A_134 : i1 to i32
        %cond3A_136 = arith.constant 0 : i32
        %cond3A_137 = arith.cmpi ne, %convert_element_type3A_135, %cond3A_136 : i32
        scf.if %cond3A_137 {
          %dma_wait3A_145 = arith.constant 0 : i32
          %dma_wait3A_146 = arith.constant 0 : i32
          %dma_wait3A_147 = tpu.memref_slice %arg4[%dma_wait3A_145, %dma_wait3A_146] : memref<524288x128xf32, #tpu.memory_space<hbm>> -> memref<256x64xf32, #tpu.memory_space<hbm>>
          %dma_wait3A_148 = arith.constant 0 : i32
          %dma_wait3A_149 = arith.constant 0 : i32
          %dma_wait3A_150 = tpu.memref_slice %arg4[%dma_wait3A_148, %dma_wait3A_149] : memref<524288x128xf32, #tpu.memory_space<hbm>> -> memref<256x64xf32, #tpu.memory_space<hbm>>
          tpu.wait_dma2 semaphore(%arg17 : memref<!tpu.dma_semaphore, #tpu.memory_space<semaphore_mem>>) src(%arg9 : memref<256x64xf32, #tpu.memory_space<vmem>>) dst(%dma_wait3A_150 : memref<256x64xf32, #tpu.memory_space<hbm>>)
        } else {
        }
        %add3A_138 = arith.constant 1 : i32
        %add3A_139 = arith.addi %add3A_85, %add3A_138 : i32
        %scan3A_140 = arith.constant 0 : i32
        %scan3A_141 = arith.constant 8 : i32
        %scan3A_142 = arith.addi %scan3A_140, %scan3A_141 : i32
        %scan3A_143 = arith.constant 1 : i32
        scf.for %scan3A_145 = %scan3A_140 to %scan3A_142 step %scan3A_143  : i32 {
          %mul3A_146 = arith.constant 1 : i32
          %mul3A_147 = arith.muli %scan3A_145, %mul3A_146 : i32
          %add3A_148 = arith.constant 0 : i32
          %add3A_149 = arith.addi %add3A_148, %mul3A_147 : i32
          %mul3A_150 = arith.constant 8 : i32
          %mul3A_151 = arith.muli %add3A_139, %mul3A_150 : i32
          %add3A_152 = arith.addi %mul3A_151, %add3A_149 : i32
          %mul3A_153 = arith.constant 32 : i32
          %mul3A_154 = arith.muli %add3A_149, %mul3A_153 : i32
          %dma_start3A_155 = arith.constant 0 : i32
          %dma_start3A_156 = tpu.memref_slice %arg9[%mul3A_154, %dma_start3A_155] : memref<256x64xf32, #tpu.memory_space<vmem>> -> memref<32x64xf32, #tpu.memory_space<vmem>>
          %dma_start3A_157 = arith.constant 0 : i32
          %dma_start3A_158 = tpu.memref_slice %arg5[%add3A_152, %dma_start3A_157] : memref<512x32xi32, #tpu.memory_space<vmem>> -> memref<1x32xi32, #tpu.memory_space<vmem>>
          %dma_start3A_159 = tpu.memref_squeeze %dma_start3A_158 : memref<1x32xi32, #tpu.memory_space<vmem>> -> memref<32xi32, #tpu.memory_space<vmem>>
          %dma_start3A_160 = arith.constant 0 : i32
          %dma_start3A_161 = arith.constant 0 : i32
          %dma_start3A_162 = tpu.memref_slice %arg2[%dma_start3A_160, %dma_start3A_161] : memref<1000000x64xf32, #tpu.memory_space<hbm>> -> memref<1000000x64xf32, #tpu.memory_space<hbm>>
          tpu.enqueue_indirect_dma source(%dma_start3A_162 : memref<1000000x64xf32, #tpu.memory_space<hbm>>) target(%dma_start3A_156 : memref<32x64xf32, #tpu.memory_space<vmem>>) offsets(%dma_start3A_159 : memref<32xi32, #tpu.memory_space<vmem>>) semaphore(%arg13 : memref<!tpu.dma_semaphore, #tpu.memory_space<semaphore_mem>>)
        }
        %scan3A_144 = arith.constant 8 : i32
      } else {
      }
      %dma_wait3A_93 = arith.constant 0 : i32
      %dma_wait3A_94 = arith.constant 0 : i32
      %dma_wait3A_95 = tpu.memref_slice %arg2[%dma_wait3A_93, %dma_wait3A_94] : memref<1000000x64xf32, #tpu.memory_space<hbm>> -> memref<256x64xf32, #tpu.memory_space<hbm>>
      %dma_wait3A_96 = arith.constant 0 : i32
      %dma_wait3A_97 = arith.constant 0 : i32
      %dma_wait3A_98 = tpu.memref_slice %arg2[%dma_wait3A_96, %dma_wait3A_97] : memref<1000000x64xf32, #tpu.memory_space<hbm>> -> memref<256x64xf32, #tpu.memory_space<hbm>>
      tpu.wait_dma2 semaphore(%arg12 : memref<!tpu.dma_semaphore, #tpu.memory_space<semaphore_mem>>) src(%dma_wait3A_98 : memref<256x64xf32, #tpu.memory_space<hbm>>) dst(%arg8 : memref<256x64xf32, #tpu.memory_space<vmem>>)
      %mul3A_99 = arith.constant 8 : i32
      %mul3A_100 = arith.muli %add3A_85, %mul3A_99 : i32
      %add3A_101 = arith.addi %mul3A_2, %mul3A_100 : i32
      %mul3A_102 = arith.constant 32 : i32
      %mul3A_103 = arith.muli %add3A_101, %mul3A_102 : i32
      %dma_start3A_104 = arith.constant 0 : i32
      %dma_start3A_105 = tpu.memref_slice %arg4[%mul3A_103, %dma_start3A_104] : memref<524288x128xf32, #tpu.memory_space<hbm>> -> memref<256x64xf32, #tpu.memory_space<hbm>>
      %dma_start3A_106 = arith.constant 0 : i32
      %dma_start3A_107 = tpu.memref_slice %arg4[%mul3A_103, %dma_start3A_106] : memref<524288x128xf32, #tpu.memory_space<hbm>> -> memref<256x64xf32, #tpu.memory_space<hbm>>
      tpu.enqueue_dma source(%arg8 : memref<256x64xf32, #tpu.memory_space<vmem>>) target(%dma_start3A_107 : memref<256x64xf32, #tpu.memory_space<hbm>>) target_semaphore(%arg16 : memref<!tpu.dma_semaphore, #tpu.memory_space<semaphore_mem>>)
      %add3A_108 = arith.constant 3 : i32
      %add3A_109 = arith.addi %add3A_39, %add3A_108 : i32
      %add3A_110 = arith.constant 1 : i32
      %add3A_111 = arith.addi %add3A_109, %add3A_110 : i32
      %lt3A_112 = arith.constant 64 : i32
      %lt3A_113 = arith.cmpi slt, %add3A_111, %lt3A_112 : i32
      %convert_element_type3A_114 = arith.extui %lt3A_113 : i1 to i32
      %cond3A_115 = arith.constant 0 : i32
      %cond3A_116 = arith.cmpi ne, %convert_element_type3A_114, %cond3A_115 : i32
      scf.if %cond3A_116 {
        %add3A_132 = arith.constant 1 : i32
        %add3A_133 = arith.addi %add3A_109, %add3A_132 : i32
        %ge3A = arith.constant 4 : i32
        %ge3A_134 = arith.cmpi sge, %add3A_133, %ge3A : i32
        %convert_element_type3A_135 = arith.extui %ge3A_134 : i1 to i32
        %cond3A_136 = arith.constant 0 : i32
        %cond3A_137 = arith.cmpi ne, %convert_element_type3A_135, %cond3A_136 : i32
        scf.if %cond3A_137 {
          %dma_wait3A_145 = arith.constant 0 : i32
          %dma_wait3A_146 = arith.constant 0 : i32
          %dma_wait3A_147 = tpu.memref_slice %arg4[%dma_wait3A_145, %dma_wait3A_146] : memref<524288x128xf32, #tpu.memory_space<hbm>> -> memref<256x64xf32, #tpu.memory_space<hbm>>
          %dma_wait3A_148 = arith.constant 0 : i32
          %dma_wait3A_149 = arith.constant 0 : i32
          %dma_wait3A_150 = tpu.memref_slice %arg4[%dma_wait3A_148, %dma_wait3A_149] : memref<524288x128xf32, #tpu.memory_space<hbm>> -> memref<256x64xf32, #tpu.memory_space<hbm>>
          tpu.wait_dma2 semaphore(%arg14 : memref<!tpu.dma_semaphore, #tpu.memory_space<semaphore_mem>>) src(%arg6 : memref<256x64xf32, #tpu.memory_space<vmem>>) dst(%dma_wait3A_150 : memref<256x64xf32, #tpu.memory_space<hbm>>)
        } else {
        }
        %add3A_138 = arith.constant 1 : i32
        %add3A_139 = arith.addi %add3A_109, %add3A_138 : i32
        %scan3A_140 = arith.constant 0 : i32
        %scan3A_141 = arith.constant 8 : i32
        %scan3A_142 = arith.addi %scan3A_140, %scan3A_141 : i32
        %scan3A_143 = arith.constant 1 : i32
        scf.for %scan3A_145 = %scan3A_140 to %scan3A_142 step %scan3A_143  : i32 {
          %mul3A_146 = arith.constant 1 : i32
          %mul3A_147 = arith.muli %scan3A_145, %mul3A_146 : i32
          %add3A_148 = arith.constant 0 : i32
          %add3A_149 = arith.addi %add3A_148, %mul3A_147 : i32
          %mul3A_150 = arith.constant 8 : i32
          %mul3A_151 = arith.muli %add3A_139, %mul3A_150 : i32
          %add3A_152 = arith.addi %mul3A_151, %add3A_149 : i32
          %mul3A_153 = arith.constant 32 : i32
          %mul3A_154 = arith.muli %add3A_149, %mul3A_153 : i32
          %dma_start3A_155 = arith.constant 0 : i32
          %dma_start3A_156 = tpu.memref_slice %arg6[%mul3A_154, %dma_start3A_155] : memref<256x64xf32, #tpu.memory_space<vmem>> -> memref<32x64xf32, #tpu.memory_space<vmem>>
          %dma_start3A_157 = arith.constant 0 : i32
          %dma_start3A_158 = tpu.memref_slice %arg5[%add3A_152, %dma_start3A_157] : memref<512x32xi32, #tpu.memory_space<vmem>> -> memref<1x32xi32, #tpu.memory_space<vmem>>
          %dma_start3A_159 = tpu.memref_squeeze %dma_start3A_158 : memref<1x32xi32, #tpu.memory_space<vmem>> -> memref<32xi32, #tpu.memory_space<vmem>>
          %dma_start3A_160 = arith.constant 0 : i32
          %dma_start3A_161 = arith.constant 0 : i32
          %dma_start3A_162 = tpu.memref_slice %arg2[%dma_start3A_160, %dma_start3A_161] : memref<1000000x64xf32, #tpu.memory_space<hbm>> -> memref<1000000x64xf32, #tpu.memory_space<hbm>>
          tpu.enqueue_indirect_dma source(%dma_start3A_162 : memref<1000000x64xf32, #tpu.memory_space<hbm>>) target(%dma_start3A_156 : memref<32x64xf32, #tpu.memory_space<vmem>>) offsets(%dma_start3A_159 : memref<32xi32, #tpu.memory_space<vmem>>) semaphore(%arg10 : memref<!tpu.dma_semaphore, #tpu.memory_space<semaphore_mem>>)
        }
        %scan3A_144 = arith.constant 8 : i32
      } else {
      }
      %dma_wait3A_117 = arith.constant 0 : i32
      %dma_wait3A_118 = arith.constant 0 : i32
      %dma_wait3A_119 = tpu.memref_slice %arg2[%dma_wait3A_117, %dma_wait3A_118] : memref<1000000x64xf32, #tpu.memory_space<hbm>> -> memref<256x64xf32, #tpu.memory_space<hbm>>
      %dma_wait3A_120 = arith.constant 0 : i32
      %dma_wait3A_121 = arith.constant 0 : i32
      %dma_wait3A_122 = tpu.memref_slice %arg2[%dma_wait3A_120, %dma_wait3A_121] : memref<1000000x64xf32, #tpu.memory_space<hbm>> -> memref<256x64xf32, #tpu.memory_space<hbm>>
      tpu.wait_dma2 semaphore(%arg13 : memref<!tpu.dma_semaphore, #tpu.memory_space<semaphore_mem>>) src(%dma_wait3A_122 : memref<256x64xf32, #tpu.memory_space<hbm>>) dst(%arg9 : memref<256x64xf32, #tpu.memory_space<vmem>>)
      %mul3A_123 = arith.constant 8 : i32
      %mul3A_124 = arith.muli %add3A_109, %mul3A_123 : i32
      %add3A_125 = arith.addi %mul3A_2, %mul3A_124 : i32
      %mul3A_126 = arith.constant 32 : i32
      %mul3A_127 = arith.muli %add3A_125, %mul3A_126 : i32
      %dma_start3A_128 = arith.constant 0 : i32
      %dma_start3A_129 = tpu.memref_slice %arg4[%mul3A_127, %dma_start3A_128] : memref<524288x128xf32, #tpu.memory_space<hbm>> -> memref<256x64xf32, #tpu.memory_space<hbm>>
      %dma_start3A_130 = arith.constant 0 : i32
      %dma_start3A_131 = tpu.memref_slice %arg4[%mul3A_127, %dma_start3A_130] : memref<524288x128xf32, #tpu.memory_space<hbm>> -> memref<256x64xf32, #tpu.memory_space<hbm>>
      tpu.enqueue_dma source(%arg9 : memref<256x64xf32, #tpu.memory_space<vmem>>) target(%dma_start3A_131 : memref<256x64xf32, #tpu.memory_space<hbm>>) target_semaphore(%arg17 : memref<!tpu.dma_semaphore, #tpu.memory_space<semaphore_mem>>)
    }
    %scan3A_11 = arith.constant 16 : i32
    %dma_wait3A = arith.constant 0 : i32
    %dma_wait3A_12 = arith.constant 0 : i32
    %dma_wait3A_13 = tpu.memref_slice %arg4[%dma_wait3A, %dma_wait3A_12] : memref<524288x128xf32, #tpu.memory_space<hbm>> -> memref<256x64xf32, #tpu.memory_space<hbm>>
    %dma_wait3A_14 = arith.constant 0 : i32
    %dma_wait3A_15 = arith.constant 0 : i32
    %dma_wait3A_16 = tpu.memref_slice %arg4[%dma_wait3A_14, %dma_wait3A_15] : memref<524288x128xf32, #tpu.memory_space<hbm>> -> memref<256x64xf32, #tpu.memory_space<hbm>>
    tpu.wait_dma2 semaphore(%arg14 : memref<!tpu.dma_semaphore, #tpu.memory_space<semaphore_mem>>) src(%arg6 : memref<256x64xf32, #tpu.memory_space<vmem>>) dst(%dma_wait3A_16 : memref<256x64xf32, #tpu.memory_space<hbm>>)
    %dma_wait3A_17 = arith.constant 0 : i32
    %dma_wait3A_18 = arith.constant 0 : i32
    %dma_wait3A_19 = tpu.memref_slice %arg4[%dma_wait3A_17, %dma_wait3A_18] : memref<524288x128xf32, #tpu.memory_space<hbm>> -> memref<256x64xf32, #tpu.memory_space<hbm>>
    %dma_wait3A_20 = arith.constant 0 : i32
    %dma_wait3A_21 = arith.constant 0 : i32
    %dma_wait3A_22 = tpu.memref_slice %arg4[%dma_wait3A_20, %dma_wait3A_21] : memref<524288x128xf32, #tpu.memory_space<hbm>> -> memref<256x64xf32, #tpu.memory_space<hbm>>
    tpu.wait_dma2 semaphore(%arg15 : memref<!tpu.dma_semaphore, #tpu.memory_space<semaphore_mem>>) src(%arg7 : memref<256x64xf32, #tpu.memory_space<vmem>>) dst(%dma_wait3A_22 : memref<256x64xf32, #tpu.memory_space<hbm>>)
    %dma_wait3A_23 = arith.constant 0 : i32
    %dma_wait3A_24 = arith.constant 0 : i32
    %dma_wait3A_25 = tpu.memref_slice %arg4[%dma_wait3A_23, %dma_wait3A_24] : memref<524288x128xf32, #tpu.memory_space<hbm>> -> memref<256x64xf32, #tpu.memory_space<hbm>>
    %dma_wait3A_26 = arith.constant 0 : i32
    %dma_wait3A_27 = arith.constant 0 : i32
    %dma_wait3A_28 = tpu.memref_slice %arg4[%dma_wait3A_26, %dma_wait3A_27] : memref<524288x128xf32, #tpu.memory_space<hbm>> -> memref<256x64xf32, #tpu.memory_space<hbm>>
    tpu.wait_dma2 semaphore(%arg16 : memref<!tpu.dma_semaphore, #tpu.memory_space<semaphore_mem>>) src(%arg8 : memref<256x64xf32, #tpu.memory_space<vmem>>) dst(%dma_wait3A_28 : memref<256x64xf32, #tpu.memory_space<hbm>>)
    %dma_wait3A_29 = arith.constant 0 : i32
    %dma_wait3A_30 = arith.constant 0 : i32
    %dma_wait3A_31 = tpu.memref_slice %arg4[%dma_wait3A_29, %dma_wait3A_30] : memref<524288x128xf32, #tpu.memory_space<hbm>> -> memref<256x64xf32, #tpu.memory_space<hbm>>
    %dma_wait3A_32 = arith.constant 0 : i32
    %dma_wait3A_33 = arith.constant 0 : i32
    %dma_wait3A_34 = tpu.memref_slice %arg4[%dma_wait3A_32, %dma_wait3A_33] : memref<524288x128xf32, #tpu.memory_space<hbm>> -> memref<256x64xf32, #tpu.memory_space<hbm>>
    tpu.wait_dma2 semaphore(%arg17 : memref<!tpu.dma_semaphore, #tpu.memory_space<semaphore_mem>>) src(%arg9 : memref<256x64xf32, #tpu.memory_space<vmem>>) dst(%dma_wait3A_34 : memref<256x64xf32, #tpu.memory_space<hbm>>)
    return
  }
}

</mosaic_0001>

<sc_bundles>
// kernel: kernel.3.cloned.1.call-start
scs
__scs_entry_jumppad:
0x0: {  	(pc) =	sbr.rel $0x88, $3  }
0x1: {  	(tag) =	ssettag $0x0;
	lr =	simm.s32 $0x1  }
0x2: {  	[smem:$0x3F9F] =	sst lr;
	_ =	strace $0xD0000000  }
0x3: {  	_ = 	snop  }
0x4: {  	_ = 	snop  }
0x5: {  	_ = 	snop  }
0x6: {  	_ = 	snop  }
0x7: {  	_ = 	snop  }
__scs_overlays_trampoline_lowered:
0x8: {  	[smem:$0x3FAE] =	sst s0  }
0x9: {  	[smem:$0x3FAF] =	sst s1  }
0xa: {  	[smem:$0x3FB0] =	sst s2  }
0xb: {  	[smem:$0x3FB1] =	sst s3  }
0xc: {  	[smem:$0x3FB2] =	sst s4  }
0xd: {  	[smem:$0x3FB3] =	sst s5  }
0xe: {  	[smem:$0x3FB4] =	sst s6  }
0xf: {  	[smem:$0x3FB5] =	sst s7  }
0x10: {  	[smem:$0x3FB6] =	sst s8  }
0x11: {  	[smem:$0x3FB7] =	sst s9;
	s0 =	simm.s32 @!p0 $0x0  }
0x12: {  	s1 =	sld [smem:$0x3F9D];
	s0 =	simm.s32 @p0 $0x1  }
0x13: {  	[smem:$0x3FB8] =	sst s0;
	s0 =	simm.s32 @!p1 $0x0  }
0x14: {  	s2 =	sld [smem:$0x3F9C];
	s0 =	simm.s32 @p1 $0x1  }
0x15: {  	[smem:$0x3FB9] =	sst s0;
	s0 =	simm.s32 @!p2 $0x0  }
0x16: {  	s3 =	sld [smem:$0x3FDB];
	s0 =	simm.s32 @p2 $0x1  }
0x17: {  	s4 =	simm.s32 $0x1BF5;
	[smem:$0x3FBB] =	sst s0  }
0x18: {  	s0 =	sld [smem:$0x3F9E];
	_ =	swait.ge [sflag:s4], $0x0  }
0x19: {  	s7 =	sld [smem:$0x3F9F]  }
0x1a: {  	s8 =	sadd.s32 $0xFFFFE003, lr  }
0x1b: {  	s9 =	sadd.s32 $0xFFFFFEF7, lr;
	s5 =	simm.s32 $0xFFFFFFFF;
	p2 =	slt.u32 s8, $0xFFFFF086  }
0x1c: {  	p1 =	slt.u32 s9, $0xF7A;
	s5 =	simm.s32 @!p2 $0x0  }
0x1d: {  	s5 =	simm.s32 @p1 $0x1;
	p0 =	seq.s32 s7, s2  }
0x1e: {  	s7 =	smul.u32 @!p0 $0xF7A, s2;
	p2 =	seq.s32 @!p0 s5, $0x0  }
0x1f: {  	s9 =	smul.u32 $0xF7A, s1;
	s8 =	simm.s32 @!p0 $0x1BF5;
	p2 =	por !p2, p0  }
0x20: {  	[sflag:s8] =	ssyncset.s32 @!p0 $0xFFFFF086;
	s6 =	sadd.s32 @!p0 s3, s7;
	s7 =	simm.s32 @!p0 $0x108  }
0x21: {  	s3 =	sadd.s32 s3, s9;
	s6 =	sadd.s32 @!p0 $0x88, s6;
	s7 =	simm.s32 @p2 $0x1082  }
0x22: {  	[simem:s7], [sflag:s8] =	dma.local @!p0 [hbm:s6], $0xF7A  }
0x23: {  	s9 =	sor.u32 $0xD0000000, s2;
	s6 =	simm.s32 $0x108;
	_ =	swait.ge @!p0 [sflag:s8], $0x0  }
0x24: {  	s3 =	sadd.s32 $0x88, s3;
	s6 =	simm.s32 @!p1 $0x1082;
	[sflag:s4] =	ssyncset.s32 $0xFFFFF086  }
0x25: {  	[simem:s6], [sflag:s4] =	dma.local [hbm:s3], $0xF7A  }
0x26: {  	[smem:$0x3F9F] =	sst s1;
	(tag) =	ssettag s2;
	_ =	strace s9  }
0x27: {  	s1 =	sld [smem:$0x3FAF]  }
0x28: {  	s2 =	sld [smem:$0x3FB0]  }
0x29: {  	s4 =	sld [smem:$0x3FB2]  }
0x2a: {  	p0 =	seq.s32 s5, $0x0;
	s5 =	sld [smem:$0x3FB3]  }
0x2b: {  	s6 =	sld [smem:$0x3FB4]  }
0x2c: {  	s7 =	sld [smem:$0x3FB5]  }
0x2d: {  	s3 =	simm.s32 $0x108;
	s8 =	sld [smem:$0x3FB6]  }
0x2e: {  	s3 =	simm.s32 @!p0 $0x1082;
	s9 =	sld [smem:$0x3FB7]  }
0x2f: {  	lr =	sadd.s32 s0, s3;
	s0 =	sld [smem:$0x3FAE]  }
0x30: {  	s3 =	sld [smem:$0x3FB1]  }
0x31: {  	[smem:$0x3FBA] =	sst s10  }
0x32: {  	s10 =	sld [smem:$0x3FB8];
	_ =	sdelay $0x3  }
0x33: {  	p0 =	seq.s32 s10, $0x1;
	s10 =	sld [smem:$0x3FBA];
	_ =	sdelay $0x3  }
0x34: {  	[smem:$0x3FBA] =	sst s10  }
0x35: {  	s10 =	sld [smem:$0x3FB9];
	_ =	sdelay $0x3  }
0x36: {  	p1 =	seq.s32 s10, $0x1;
	s10 =	sld [smem:$0x3FBA];
	_ =	sdelay $0x3  }
0x37: {  	[smem:$0x3FBA] =	sst s10  }
0x38: {  	s10 =	sld [smem:$0x3FBB]  }
0x39: {  	_ = 	snop;
	(pc) =	sbr.ind lr, $3  }
0x3a: {  	_ = 	snop  }
0x3b: {  	_ = 	snop  }
0x3c: {  	p2 =	seq.s32 s10, $0x1;
	s10 =	sld [smem:$0x3FBA]  }
0x3d: {  	_ =	shalt  }
0x3e: {  	_ =	shalt  }
0x3f: {  	_ =	shalt  }
0x40: {  	_ =	shalt  }
0x41: {  	_ =	shalt  }
0x42: {  	_ =	shalt  }
0x43: {  	_ =	shalt  }
0x44: {  	_ =	shalt  }
0x45: {  	_ =	shalt  }
0x46: {  	_ =	shalt  }
0x47: {  	_ =	shalt  }
0x48: {  	_ =	shalt  }
0x49: {  	_ =	shalt  }
0x4a: {  	_ =	shalt  }
0x4b: {  	_ =	shalt  }
0x4c: {  	_ =	shalt  }
0x4d: {  	_ =	shalt  }
0x4e: {  	_ =	shalt  }
0x4f: {  	_ =	shalt  }
0x50: {  	_ =	shalt  }
0x51: {  	_ =	shalt  }
0x52: {  	_ =	shalt  }
0x53: {  	_ =	shalt  }
0x54: {  	_ =	shalt  }
0x55: {  	_ =	shalt  }
0x56: {  	_ =	shalt  }
0x57: {  	_ =	shalt  }
0x58: {  	_ =	shalt  }
0x59: {  	_ =	shalt  }
0x5a: {  	_ =	shalt  }
0x5b: {  	_ =	shalt  }
0x5c: {  	_ =	shalt  }
0x5d: {  	_ =	shalt  }
0x5e: {  	_ =	shalt  }
0x5f: {  	_ =	shalt  }
0x60: {  	_ =	shalt  }
0x61: {  	_ =	shalt  }
0x62: {  	_ =	shalt  }
0x63: {  	_ =	shalt  }
0x64: {  	_ =	shalt  }
0x65: {  	_ =	shalt  }
0x66: {  	_ =	shalt  }
0x67: {  	_ =	shalt  }
0x68: {  	_ =	shalt  }
0x69: {  	_ =	shalt  }
0x6a: {  	_ =	shalt  }
0x6b: {  	_ =	shalt  }
0x6c: {  	_ =	shalt  }
0x6d: {  	_ =	shalt  }
0x6e: {  	_ =	shalt  }
0x6f: {  	_ =	shalt  }
0x70: {  	_ =	shalt  }
0x71: {  	_ =	shalt  }
0x72: {  	_ =	shalt  }
0x73: {  	_ =	shalt  }
0x74: {  	_ =	shalt  }
0x75: {  	_ =	shalt  }
0x76: {  	_ =	shalt  }
0x77: {  	_ =	shalt  }
0x78: {  	_ =	shalt  }
0x79: {  	_ =	shalt  }
0x7a: {  	_ =	shalt  }
0x7b: {  	_ =	shalt  }
0x7c: {  	_ =	shalt  }
0x7d: {  	_ =	shalt  }
0x7e: {  	_ =	shalt  }
0x7f: {  	_ =	shalt  }
0x80: {  	_ =	shalt  }
0x81: {  	_ =	shalt  }
0x82: {  	_ =	shalt  }
0x83: {  	_ =	shalt  }
0x84: {  	_ =	shalt  }
0x85: {  	_ =	shalt  }
0x86: {  	_ =	shalt  }
0x87: {  	_ =	shalt  }
.Lfunc_end0:
.L_simem_size_0:
called_computation.1_lowered:
.L_overlay_start_0:
0x88: {  	s2 =	sld [smem:$0x3FD9]  }
0x89: {  	s3 =	sld [smem:$0x3FFE];
	_ =	sdelay $0x1  }
0x8a: {  	s1 =	srdreg.scid  }
0x8b: {  	s0 =	sand.u32 $0x1, s1  }
0x8c: {  	s17 =	sshll.u32 s0, $0xA;
	s2 =	sadd.s32 s3, s2  }
0x8d: {  	s2 =	sadd.s32 s2, s17  }
0x8e: {  	[smem:$0x3FC6] =	sst s2  }
0x8f: {  	_ = 	snop  }
0x90: {  	s2 =	sld [smem:$0x3FD0];
	(tm) =	ssettm $0x1  }
0x91: {  	s18 =	sld [smem:$0x3FFB];
	_ =	sdelay $0x3  }
0x92: {  	_ =	strace s18  }
0x93: {  	s3 =	sld [smem:$0x3FFC];
	_ =	sdelay $0x3  }
0x94: {  	_ =	strace s3  }
0x95: {  	s3 =	sld [smem:$0x3FFD];
	_ =	sdelay $0x3  }
0x96: {  	_ =	strace s3  }
0x97: {  	_ =	strace $0x8FFFFFFF  }
0x98: {  	s19 =	sld [smem:$0x3FDB];
	_ =	sdelay $0x1  }
0x99: {  	s4 =	simm.s32 $_scs_section_size  }
0x9a: {  	s5 =	simm.s32 $_size__tile_overlayer_lowered;
	s6 =	simm.s32 $_tile_overlayer_lowered  }
0x9b: {  	s22 =	simm.s32 $0x1BFF;
	s21 =	sshll.u32 s6, $0x1;
	s3 =	sadd.s32 s4, s19  }
0x9c: {  	s7 =	simm.s32 $0x0;
	s20 =	sshll.u32 s5, $0x1;
	s5 =	sadd.s32 s21, s3  }
0x9d: {  	[timem:s7], [sflag:s22] =	dma.local [hbm:s5], s20  }
0x9e: {  	_ =	swait.ge [sflag:s22], s20  }
0x9f: {  	s4 =	ssub.s32 $0x0, s20;
	[sflag:s22] =	ssyncset.done $0x0  }
0xa0: {  	[sflag:s22] =	ssyncadd.s32 s4;
	_ =	sdelay $0x1  }
0xa1: {  	s23 =	simm.s32 $0x1B8B  }
0xa2: {  	_ =	swait.ge [sflag:s23], $0x1  }
0xa3: {  	[sflag:s23] =	ssyncset.done $0x0  }
0xa4: {  	s25 =	simm.s32 $0x1B8E;
	s24 =	sld [smem:$0x3FFE];
	[sflag:s23] =	ssyncadd.s32 $0xFFFFFFFF  }
0xa5: {  	s26 =	simm.s32 $execute0_lowered;
	[smem:$0x3FD2] =	sst s25  }
0xa6: {  	s5 =	sshll.u32 s26, $0x1;
	_ =	strace $0x80000046;
	[dreg:$0x1] =	wrdreg $0xFFFFFFFF  }
0xa7: {  	s28 =	simm.s32 $_size_execute0_lowered;
	s3 =	sadd.s32 s3, s5;
	[dreg:$0x0] =	wrdreg $0x0  }
0xa8: {  	s5 =	sshll.u32 s28, $0x1;
	[dreg:$0x2] =	wrdreg s3  }
0xa9: {  	[dreg:$0x3] =	wrdreg s5  }
0xaa: {  	[dreg:$0x4] =	wrdreg $0xC0  }
0xab: {  	_ =	task [dreg:s7], $0x5FFFF  }
0xac: {  	[dreg:$0x1] =	wrdreg $0xFFFFFFFF  }
0xad: {  	[dreg:$0x0] =	wrdreg $0x60  }
0xae: {  	[dreg:$0x2] =	wrdreg s24  }
0xaf: {  	[dreg:$0x3] =	wrdreg s2  }
0xb0: {  	[dreg:$0x4] =	wrdreg $0x9  }
0xb1: {  	_ =	task.clear_ibuf [dreg:s7], $0x5FFFF;
	_ =	strace $0x90000046  }
0xb2: {  	s29 =	simm.s32 $0x9;
	_ =	strace $0x80000048  }
0xb3: {  	_ =	swait.ge [sflag:s29], $0x1  }
0xb4: {  	[sflag:s29] =	ssyncadd.s32 $0xFFFFFFFF  }
0xb5: {  	_ =	strace $0x90000048  }
0xb6: {  	_ =	sfence  }
0xb7: {  	s30 =	sld [smem:$0x0];
	_ =	sdelay $0x2  }
0xb8: {  	s31 =	sshll.u32 s1, $0xD;
	s1 =	sshrl.u32 s1, $0x2  }
0xb9: {  	s3 =	sand.u32 $0x4000, s31;
	s1 =	sadd.s32 s1, s30  }
0xba: {  	s0 =	sor.u32 s3, s0;
	s1 =	sshll.u32 s1, $0x11  }
0xbb: {  	s0 =	sor.u32 s1, s0  }
0xbc: {  	s0 =	sadd.s32 $0x8F2B, s0  }
0xbd: {  	[sflag:s0] =	ssyncadd.remote.s32 $0x1  }
0xbe: {  	_ =	sfence.sel $0xFFFF  }
0xbf: {  	[dreg:$0x0] =	wrdreg $0xFFFFFFFF;
	(pc) =	sbr.abs _section_cstart, $3  }
0xc0: {  	[dreg:$0x1] =	wrdreg $0xFFFFFFFF  }
0xc1: {  	_ =	task.clear_ibuf [dreg:s7], $0x2FFFF;
	_ =	strace $0x9FFFFFFF  }
0xc2: {  	(tm) =	ssettm $0x7FFFFFFF  }
0xc3: {  	_ =	shalt  }
tec
execute0_lowered:
.L_overlay_start_1:
0x0: {  	(tag) =	ssettag $0x1  }
0x1: {  	s0 =	rddreg [dreg:$0x0]  }
0x2: {  	s1 =	rddreg [dreg:$0x1];
	s2 =	simm.s32 $0x0;
	s3 =	srdreg.scid  }
0x3: {  	s26 =	stileid.u32;
	s10 =	simm.s32 $0xA800;
	[smem:$0x7FF] =	sst s2  }
0x4: {  	s11 =	simm.s32 $0xB000;
	_ =	strace $0x80000047;
	[dreg:$0x7] =	wrdreg s10  }
0x5: {  	s12 =	simm.s32 $0xB800;
	s13 =	simm.s32 $0xC800;
	[dreg:$0x8] =	wrdreg s11  }
0x6: {  	s14 =	simm.s32 $0xD000;
	s15 =	simm.s32 $0xD800;
	[dreg:$0x9] =	wrdreg s12  }
0x7: {  	s16 =	simm.s32 $0xE000;
	s17 =	simm.s32 $0xE800;
	[dreg:$0xa] =	wrdreg s13  }
0x8: {  	s18 =	simm.s32 $0xF000;
	s19 =	simm.s32 $0xF800;
	[dreg:$0xb] =	wrdreg s14  }
0x9: {  	s20 =	simm.s32 $0x10800;
	s21 =	simm.s32 $0x11000;
	[dreg:$0xc] =	wrdreg s15  }
0xa: {  	s22 =	simm.s32 $0x11800;
	s23 =	simm.s32 $0x12000;
	[dreg:$0xd] =	wrdreg s16  }
0xb: {  	s24 =	simm.s32 $0x12800;
	s25 =	simm.s32 $0x13000;
	[dreg:$0xe] =	wrdreg s17  }
0xc: {  	s28 =	simm.s32 $0x10000;
	s29 =	simm.s32 $0x3;
	[dreg:$0xf] =	wrdreg s18  }
0xd: {  	s30 =	simm.s32 $0x4;
	s31 =	simm.s32 $0x5;
	[dreg:$0x10] =	wrdreg s19  }
0xe: {  	s6 =	sand.u32 $0x1, s3;
	s3 =	sadd.s32 $0xF43200, s0;
	[dreg:$0x11] =	wrdreg s20  }
0xf: {  	s4 =	sshll.u32 s26, $0x13;
	s8 =	sshll.u32 s26, $0xE;
	[dreg:$0x12] =	wrdreg s21  }
0x10: {  	s26 =	simm.s32 $0x13800;
	s5 =	ssub.s32 $0x2, s6;
	[dreg:$0x13] =	wrdreg s22  }
0x11: {  	s9 =	sshll.u32 s6, $0xD;
	s0 =	sadd.s32 s4, s0;
	[dreg:$0x14] =	wrdreg s23  }
0x12: {  	s6 =	sshll.u32 s6, $0x12;
	s10 =	simm.s32 $0x4000;
	[dreg:$0x15] =	wrdreg s24  }
0x13: {  	s12 =	simm.s32 $0x40;
	s23 =	simm.s32 $0x8000;
	[dreg:$0x16] =	wrdreg s25  }
0x14: {  	s24 =	simm.s32 $0x1;
	[dreg:$0x17] =	wrdreg s26;
	s25 =	simm.s32 $0xC000  }
0x15: {  	s26 =	simm.s32 $0x2;
	s11 =	simm.s32 $0x8;
	s13 =	simm.s32 $0x0  }
0x16: {  	s7 =	sshrl.u32 s5, $0x1;
	s2 =	sor.u32 s9, s8;
	s8 =	simm.s32 $0x9800  }
0x17: {  	s0 =	sadd.s32 s6, s0;
	s9 =	simm.s32 $0xA000;
	[dreg:$0x5] =	wrdreg s8  }
0x18: {  	s5 =	ssub.s32 s5, s7;
	s1 =	sadd.s32 s1, s2;
	[dreg:$0x6] =	wrdreg s9  }
0x19: {  	s7 =	simm.s32 $0x9000;
	s6 =	sadd.s32 $0xE00, s0;
	[dreg:$0x18] =	wrdreg s1  }
0x1a: {  	s8 =	simm.s32 $0x80;
	s4 =	smax.u32 s5, $0x1;
	[dreg:$0x4] =	wrdreg s7  }
0x1b: {  	s0 =	simm.s32 $0x6;
	s5 =	simm.s32 $0x8800;
	[dreg:$0x19] =	wrdreg s4  }
0x1c: {  	s7 =	simm.s32 $0x20;
	s1 =	simm.s32 $0x7;
	[dreg:$0x3] =	wrdreg s5  }
.LBB2_1:
0x1d: {  	s2 =	simm.s32 $0x0;
	s4 =	rddreg [dreg:$0x18];
	s21 =	simm.s32 $0x9  }
0x1e: {  	[tilespmem:s2], [sflag:$0x9] =	stream.strided.gather [hbm4b:s4+s7], $0x4000, s8, s7, $0x38;
	[tilespmem:$0x14000] =	vst v63  }
0x1f: {  	_ =	swait.ge [sflag:s21], $0x4000  }
0x20: {  	[sflag:s21] =	ssyncset.done $0x0  }
0x21: {  	[sflag:s21] =	ssyncadd.s32 $0xFFFFC000  }
0x22: {  	[tilespmem:s10], [sflag:$0x1] =	stream.indirect.gather [hbm4b:s3+s7], $0x40, s2, s7, $0xb8;
	[tilespmem:$0x14000] =	vst v63  }
0x23: {  	s22 =	simm.s32 $0x4800  }
0x24: {  	[tilespmem:s22], [sflag:$0x1] =	stream.indirect.gather [hbm4b:s3+s7], $0x40, s7, s7, $0xb8;
	[tilespmem:$0x14000] =	vst v63  }
0x25: {  	s4 =	simm.s32 $0x5000  }
0x26: {  	[tilespmem:s4], [sflag:$0x1] =	stream.indirect.gather [hbm4b:s3+s7], $0x40, s12, s7, $0xb8;
	[tilespmem:$0x14000] =	vst v63  }
0x27: {  	s5 =	simm.s32 $0x60;
	s9 =	simm.s32 $0x5800  }
0x28: {  	[tilespmem:s9], [sflag:$0x1] =	stream.indirect.gather [hbm4b:s3+s7], $0x40, s5, s7, $0xb8;
	[tilespmem:$0x14000] =	vst v63  }
0x29: {  	s14 =	simm.s32 $0x6000  }
0x2a: {  	[tilespmem:s14], [sflag:$0x1] =	stream.indirect.gather [hbm4b:s3+s7], $0x40, s8, s7, $0xb8;
	[tilespmem:$0x14000] =	vst v63  }
0x2b: {  	s15 =	simm.s32 $0xA0;
	s16 =	simm.s32 $0x6800;
	p0 =	por $0x1, $0x1  }
0x2c: {  	[tilespmem:s16], [sflag:$0x1] =	stream.indirect.gather [hbm4b:s3+s7], $0x40, s15, s7, $0xb8;
	[tilespmem:$0x14000] =	vst v63  }
0x2d: {  	s17 =	simm.s32 $0xC0;
	s18 =	simm.s32 $0x7000;
	p0 =	por p0, p0  }
0x2e: {  	[tilespmem:s18], [sflag:$0x1] =	stream.indirect.gather [hbm4b:s3+s7], $0x40, s17, s7, $0xb8;
	[tilespmem:$0x14000] =	vst v63  }
0x2f: {  	s19 =	simm.s32 $0xE0;
	s20 =	simm.s32 $0x7800;
	s14 =	simm.s32 @!p0 $0x6  }
0x30: {  	[tilespmem:s20], [sflag:$0x1] =	stream.indirect.gather [hbm4b:s3+s7], $0x40, s19, s7, $0xb8;
	[tilespmem:$0x14000] =	vst v63  }
0x31: {  	_ =	swait.ge @!p0 [sflag:s14], $0x4000  }
0x32: {  	[sflag:s14] =	ssyncset.done @!p0 $0x0  }
0x33: {  	s21 =	simm.s32 $0x100;
	[sflag:s14] =	ssyncadd.s32 @!p0 $0xFFFFC000  }
0x34: {  	[tilespmem:s23], [sflag:$0x2] =	stream.indirect.gather [hbm4b:s3+s7], $0x40, s21, s7, $0xb8;
	[tilespmem:$0x14000] =	vst v63  }
0x35: {  	s22 =	simm.s32 $0x120;
	s15 =	rddreg [dreg:$0x3]  }
0x36: {  	[tilespmem:s15], [sflag:$0x2] =	stream.indirect.gather [hbm4b:s3+s7], $0x40, s22, s7, $0xb8;
	[tilespmem:$0x14000] =	vst v63  }
0x37: {  	s2 =	simm.s32 $0x140;
	s16 =	rddreg [dreg:$0x4]  }
0x38: {  	[tilespmem:s16], [sflag:$0x2] =	stream.indirect.gather [hbm4b:s3+s7], $0x40, s2, s7, $0xb8;
	[tilespmem:$0x14000] =	vst v63  }
0x39: {  	s5 =	simm.s32 $0x160;
	s4 =	rddreg [dreg:$0x5]  }
0x3a: {  	[tilespmem:s4], [sflag:$0x2] =	stream.indirect.gather [hbm4b:s3+s7], $0x40, s5, s7, $0xb8;
	[tilespmem:$0x14000] =	vst v63  }
0x3b: {  	s9 =	rddreg [dreg:$0x6];
	s15 =	simm.s32 $0x180  }
0x3c: {  	[tilespmem:s9], [sflag:$0x2] =	stream.indirect.gather [hbm4b:s3+s7], $0x40, s15, s7, $0xb8;
	[tilespmem:$0x14000] =	vst v63  }
0x3d: {  	s18 =	simm.s32 $0x1A0;
	s17 =	rddreg [dreg:$0x7]  }
0x3e: {  	[tilespmem:s17], [sflag:$0x2] =	stream.indirect.gather [hbm4b:s3+s7], $0x40, s18, s7, $0xb8;
	[tilespmem:$0x14000] =	vst v63  }
0x3f: {  	s20 =	simm.s32 $0x1C0;
	s19 =	rddreg [dreg:$0x8]  }
0x40: {  	[tilespmem:s19], [sflag:$0x2] =	stream.indirect.gather [hbm4b:s3+s7], $0x40, s20, s7, $0xb8;
	[tilespmem:$0x14000] =	vst v63  }
0x41: {  	s21 =	rddreg [dreg:$0x9];
	s22 =	simm.s32 $0x1E0  }
0x42: {  	[tilespmem:s21], [sflag:$0x2] =	stream.indirect.gather [hbm4b:s3+s7], $0x40, s22, s7, $0xb8;
	[tilespmem:$0x14000] =	vst v63  }
0x43: {  	_ =	swait.ge [sflag:s24], $0x4000  }
0x44: {  	[sflag:s24] =	ssyncset.done $0x0  }
0x45: {  	s14 =	simm.s32 @!p0 $0x7;
	[sflag:s24] =	ssyncadd.s32 $0xFFFFC000  }
0x46: {  	[hbm4b:s6+s12] =	stream.strided.scatter [tilespmem:s10], [sflag:$0x5], $0x4000, s8, s12, $0x38;
	[tilespmem:$0x14000] =	vst v63  }
0x47: {  	_ =	swait.ge @!p0 [sflag:s14], $0x4000  }
0x48: {  	[sflag:s14] =	ssyncset.done @!p0 $0x0  }
0x49: {  	s2 =	simm.s32 $0x200;
	[sflag:s14] =	ssyncadd.s32 @!p0 $0xFFFFC000  }
0x4a: {  	[tilespmem:s25], [sflag:$0x3] =	stream.indirect.gather [hbm4b:s3+s7], $0x40, s2, s7, $0xb8;
	[tilespmem:$0x14000] =	vst v63  }
0x4b: {  	s5 =	simm.s32 $0x220;
	s4 =	rddreg [dreg:$0xa]  }
0x4c: {  	[tilespmem:s4], [sflag:$0x3] =	stream.indirect.gather [hbm4b:s3+s7], $0x40, s5, s7, $0xb8;
	[tilespmem:$0x14000] =	vst v63  }
0x4d: {  	s15 =	simm.s32 $0x240;
	s9 =	rddreg [dreg:$0xb]  }
0x4e: {  	[tilespmem:s9], [sflag:$0x3] =	stream.indirect.gather [hbm4b:s3+s7], $0x40, s15, s7, $0xb8;
	[tilespmem:$0x14000] =	vst v63  }
0x4f: {  	s18 =	simm.s32 $0x260;
	s17 =	rddreg [dreg:$0xc]  }
0x50: {  	[tilespmem:s17], [sflag:$0x3] =	stream.indirect.gather [hbm4b:s3+s7], $0x40, s18, s7, $0xb8;
	[tilespmem:$0x14000] =	vst v63  }
0x51: {  	s20 =	simm.s32 $0x280;
	s19 =	rddreg [dreg:$0xd]  }
0x52: {  	[tilespmem:s19], [sflag:$0x3] =	stream.indirect.gather [hbm4b:s3+s7], $0x40, s20, s7, $0xb8;
	[tilespmem:$0x14000] =	vst v63  }
0x53: {  	s22 =	simm.s32 $0x2A0;
	s21 =	rddreg [dreg:$0xe]  }
0x54: {  	[tilespmem:s21], [sflag:$0x3] =	stream.indirect.gather [hbm4b:s3+s7], $0x40, s22, s7, $0xb8;
	[tilespmem:$0x14000] =	vst v63  }
0x55: {  	s2 =	rddreg [dreg:$0xf];
	s4 =	simm.s32 $0x2C0  }
0x56: {  	[tilespmem:s2], [sflag:$0x3] =	stream.indirect.gather [hbm4b:s3+s7], $0x40, s4, s7, $0xb8;
	[tilespmem:$0x14000] =	vst v63  }
0x57: {  	s5 =	rddreg [dreg:$0x10];
	s9 =	simm.s32 $0x2E0  }
0x58: {  	[tilespmem:s5], [sflag:$0x3] =	stream.indirect.gather [hbm4b:s3+s7], $0x40, s9, s7, $0xb8;
	[tilespmem:$0x14000] =	vst v63  }
0x59: {  	_ =	swait.ge [sflag:s26], $0x4000  }
0x5a: {  	[sflag:s26] =	ssyncset.done $0x0  }
0x5b: {  	s16 =	sadd.s32 $0x1000, s6;
	s15 =	simm.s32 @!p0 $0x8;
	[sflag:s26] =	ssyncadd.s32 $0xFFFFC000  }
0x5c: {  	[hbm4b:s16+s12] =	stream.strided.scatter [tilespmem:s23], [sflag:$0x6], $0x4000, s8, s12, $0x38;
	[tilespmem:$0x14000] =	vst v63  }
0x5d: {  	_ =	swait.ge @!p0 [sflag:s15], $0x4000  }
0x5e: {  	[sflag:s15] =	ssyncset.done @!p0 $0x0  }
0x5f: {  	s17 =	simm.s32 $0x300;
	[sflag:s15] =	ssyncadd.s32 @!p0 $0xFFFFC000  }
0x60: {  	[tilespmem:s28], [sflag:$0x4] =	stream.indirect.gather [hbm4b:s3+s7], $0x40, s17, s7, $0xb8;
	[tilespmem:$0x14000] =	vst v63  }
0x61: {  	s19 =	simm.s32 $0x320;
	s18 =	rddreg [dreg:$0x11]  }
0x62: {  	[tilespmem:s18], [sflag:$0x4] =	stream.indirect.gather [hbm4b:s3+s7], $0x40, s19, s7, $0xb8;
	[tilespmem:$0x14000] =	vst v63  }
0x63: {  	s21 =	simm.s32 $0x340;
	s20 =	rddreg [dreg:$0x12]  }
0x64: {  	[tilespmem:s20], [sflag:$0x4] =	stream.indirect.gather [hbm4b:s3+s7], $0x40, s21, s7, $0xb8;
	[tilespmem:$0x14000] =	vst v63  }
0x65: {  	s2 =	simm.s32 $0x360;
	s22 =	rddreg [dreg:$0x13]  }
0x66: {  	[tilespmem:s22], [sflag:$0x4] =	stream.indirect.gather [hbm4b:s3+s7], $0x40, s2, s7, $0xb8;
	[tilespmem:$0x14000] =	vst v63  }
0x67: {  	s5 =	simm.s32 $0x380;
	s4 =	rddreg [dreg:$0x14]  }
0x68: {  	[tilespmem:s4], [sflag:$0x4] =	stream.indirect.gather [hbm4b:s3+s7], $0x40, s5, s7, $0xb8;
	[tilespmem:$0x14000] =	vst v63  }
0x69: {  	s9 =	rddreg [dreg:$0x15];
	s17 =	simm.s32 $0x3A0  }
0x6a: {  	[tilespmem:s9], [sflag:$0x4] =	stream.indirect.gather [hbm4b:s3+s7], $0x40, s17, s7, $0xb8;
	[tilespmem:$0x14000] =	vst v63  }
0x6b: {  	s18 =	rddreg [dreg:$0x16];
	s19 =	simm.s32 $0x3C0  }
0x6c: {  	[tilespmem:s18], [sflag:$0x4] =	stream.indirect.gather [hbm4b:s3+s7], $0x40, s19, s7, $0xb8;
	[tilespmem:$0x14000] =	vst v63  }
0x6d: {  	s20 =	rddreg [dreg:$0x17];
	s21 =	simm.s32 $0x3E0  }
0x6e: {  	[tilespmem:s20], [sflag:$0x4] =	stream.indirect.gather [hbm4b:s3+s7], $0x40, s21, s7, $0xb8;
	[tilespmem:$0x14000] =	vst v63  }
0x6f: {  	_ =	swait.ge [sflag:s29], $0x4000  }
0x70: {  	p0 =	por $0x0, $0x0;
	[sflag:s29] =	ssyncset.done $0x0  }
0x71: {  	s14 =	simm.s32 @!p0 $0x5;
	s22 =	sadd.s32 $0x2000, s6;
	[sflag:s29] =	ssyncadd.s32 $0xFFFFC000  }
0x72: {  	[hbm4b:s22+s12] =	stream.strided.scatter [tilespmem:s25], [sflag:$0x7], $0x4000, s8, s12, $0x38;
	[tilespmem:$0x14000] =	vst v63  }
0x73: {  	_ =	swait.ge @!p0 [sflag:s14], $0x4000  }
0x74: {  	s15 =	simm.s32 @!p0 $0x400;
	[sflag:s14] =	ssyncset.done @!p0 $0x0  }
0x75: {  	s16 =	simm.s32 @!p0 $0x4000;
	s17 =	simm.s32 @!p0 $0x20;
	[sflag:s14] =	ssyncadd.s32 @!p0 $0xFFFFC000  }
0x76: {  	[tilespmem:s16], [sflag:$0x1] =	stream.indirect.gather @!p0 [hbm4b:s3+s17], $0x40, s15, s17, $0xb8;
	[tilespmem:$0x14000] =	vst v63  }
0x77: {  	s14 =	simm.s32 @!p0 $0x420;
	s15 =	simm.s32 @!p0 $0x4800  }
0x78: {  	[tilespmem:s15], [sflag:$0x1] =	stream.indirect.gather @!p0 [hbm4b:s3+s17], $0x40, s14, s17, $0xb8;
	[tilespmem:$0x14000] =	vst v63  }
0x79: {  	s14 =	simm.s32 @!p0 $0x440;
	s15 =	simm.s32 @!p0 $0x5000  }
0x7a: {  	[tilespmem:s15], [sflag:$0x1] =	stream.indirect.gather @!p0 [hbm4b:s3+s17], $0x40, s14, s17, $0xb8;
	[tilespmem:$0x14000] =	vst v63  }
0x7b: {  	s14 =	simm.s32 @!p0 $0x460;
	s15 =	simm.s32 @!p0 $0x5800  }
0x7c: {  	[tilespmem:s15], [sflag:$0x1] =	stream.indirect.gather @!p0 [hbm4b:s3+s17], $0x40, s14, s17, $0xb8;
	[tilespmem:$0x14000] =	vst v63  }
0x7d: {  	s14 =	simm.s32 @!p0 $0x480;
	s15 =	simm.s32 @!p0 $0x6000  }
0x7e: {  	[tilespmem:s15], [sflag:$0x1] =	stream.indirect.gather @!p0 [hbm4b:s3+s17], $0x40, s14, s17, $0xb8;
	[tilespmem:$0x14000] =	vst v63  }
0x7f: {  	p1 =	por $0x0, $0x0;
	s16 =	simm.s32 @!p0 $0x6800;
	s14 =	simm.s32 @!p0 $0x4A0  }
0x80: {  	[tilespmem:s16], [sflag:$0x1] =	stream.indirect.gather @!p0 [hbm4b:s3+s17], $0x40, s14, s17, $0xb8;
	[tilespmem:$0x14000] =	vst v63  }
0x81: {  	s18 =	simm.s32 @!p0 $0x7800;
	s14 =	simm.s32 @!p0 $0x4C0;
	s16 =	simm.s32 @!p0 $0x7000  }
0x82: {  	[tilespmem:s16], [sflag:$0x1] =	stream.indirect.gather @!p0 [hbm4b:s3+s17], $0x40, s14, s17, $0xb8;
	[tilespmem:$0x14000] =	vst v63  }
0x83: {  	s19 =	sadd.s32 $0x3000, s6;
	s15 =	simm.s32 $0x1000;
	s14 =	simm.s32 @!p0 $0x4E0  }
0x84: {  	[tilespmem:s18], [sflag:$0x1] =	stream.indirect.gather @!p0 [hbm4b:s3+s17], $0x40, s14, s17, $0xb8;
	[tilespmem:$0x14000] =	vst v63  }
0x85: {  	s16 =	simm.s32 $0x2000;
	p0 =	por p1, p1;
	_ =	swait.ge [sflag:s30], $0x4000  }
0x86: {  	s14 =	sadd.s32 $0x4000, s6;
	s20 =	simm.s32 @!p0 $0x6;
	[sflag:s30] =	ssyncset.done $0x0  }
.LBB2_2:
0x87: {  	[sflag:s30] =	ssyncadd.s32 $0xFFFFC000  }
0x88: {  	[hbm4b:s19+s12] =	stream.strided.scatter [tilespmem:s28], [sflag:$0x8], $0x4000, s8, s12, $0x38;
	[tilespmem:$0x14000] =	vst v63  }
0x89: {  	_ =	swait.ge @!p0 [sflag:s20], $0x4000  }
0x8a: {  	s19 =	sshra.s32 s15, $0x2;
	[sflag:s20] =	ssyncset.done @!p0 $0x0  }
0x8b: {  	s2 =	sadd.s32 $0x100, s19;
	[sflag:s20] =	ssyncadd.s32 @!p0 $0xFFFFC000  }
0x8c: {  	[tilespmem:s23], [sflag:$0x2] =	stream.indirect.gather [hbm4b:s3+s7], $0x40, s2, s7, $0xb8;
	[tilespmem:$0x14000] =	vst v63  }
0x8d: {  	s4 =	sadd.s32 $0x120, s19;
	s21 =	rddreg [dreg:$0x3]  }
0x8e: {  	[tilespmem:s21], [sflag:$0x2] =	stream.indirect.gather [hbm4b:s3+s7], $0x40, s4, s7, $0xb8;
	[tilespmem:$0x14000] =	vst v63  }
0x8f: {  	s5 =	sadd.s32 $0x140, s19;
	s22 =	rddreg [dreg:$0x4]  }
0x90: {  	[tilespmem:s22], [sflag:$0x2] =	stream.indirect.gather [hbm4b:s3+s7], $0x40, s5, s7, $0xb8;
	[tilespmem:$0x14000] =	vst v63  }
0x91: {  	s9 =	rddreg [dreg:$0x5];
	s2 =	sadd.s32 $0x160, s19  }
0x92: {  	[tilespmem:s9], [sflag:$0x2] =	stream.indirect.gather [hbm4b:s3+s7], $0x40, s2, s7, $0xb8;
	[tilespmem:$0x14000] =	vst v63  }
0x93: {  	s4 =	rddreg [dreg:$0x6];
	s5 =	sadd.s32 $0x180, s19  }
0x94: {  	[tilespmem:s4], [sflag:$0x2] =	stream.indirect.gather [hbm4b:s3+s7], $0x40, s5, s7, $0xb8;
	[tilespmem:$0x14000] =	vst v63  }
0x95: {  	s9 =	rddreg [dreg:$0x7];
	s2 =	sadd.s32 $0x1A0, s19  }
0x96: {  	[tilespmem:s9], [sflag:$0x2] =	stream.indirect.gather [hbm4b:s3+s7], $0x40, s2, s7, $0xb8;
	[tilespmem:$0x14000] =	vst v63  }
0x97: {  	s4 =	rddreg [dreg:$0x8];
	s5 =	sadd.s32 $0x1C0, s19  }
0x98: {  	[tilespmem:s4], [sflag:$0x2] =	stream.indirect.gather [hbm4b:s3+s7], $0x40, s5, s7, $0xb8;
	[tilespmem:$0x14000] =	vst v63  }
0x99: {  	s22 =	sadd.s32 $0x1E0, s19;
	s9 =	rddreg [dreg:$0x9]  }
0x9a: {  	[tilespmem:s9], [sflag:$0x2] =	stream.indirect.gather [hbm4b:s3+s7], $0x40, s22, s7, $0xb8;
	[tilespmem:$0x14000] =	vst v63  }
0x9b: {  	_ =	swait.ge [sflag:s24], $0x4000  }
0x9c: {  	[sflag:s24] =	ssyncset.done $0x0  }
0x9d: {  	s20 =	simm.s32 @!p0 $0x7;
	[sflag:s24] =	ssyncadd.s32 $0xFFFFC000  }
0x9e: {  	[hbm4b:s14+s12] =	stream.strided.scatter [tilespmem:s10], [sflag:$0x5], $0x4000, s8, s12, $0x38;
	[tilespmem:$0x14000] =	vst v63  }
0x9f: {  	_ =	swait.ge @!p0 [sflag:s20], $0x4000  }
0xa0: {  	[sflag:s20] =	ssyncset.done @!p0 $0x0  }
0xa1: {  	s2 =	sadd.s32 $0x200, s19;
	[sflag:s20] =	ssyncadd.s32 @!p0 $0xFFFFC000  }
0xa2: {  	[tilespmem:s25], [sflag:$0x3] =	stream.indirect.gather [hbm4b:s3+s7], $0x40, s2, s7, $0xb8;
	[tilespmem:$0x14000] =	vst v63  }
0xa3: {  	s5 =	sadd.s32 $0x220, s19;
	s4 =	rddreg [dreg:$0xa]  }
0xa4: {  	[tilespmem:s4], [sflag:$0x3] =	stream.indirect.gather [hbm4b:s3+s7], $0x40, s5, s7, $0xb8;
	[tilespmem:$0x14000] =	vst v63  }
0xa5: {  	s9 =	rddreg [dreg:$0xb];
	s2 =	sadd.s32 $0x240, s19  }
0xa6: {  	[tilespmem:s9], [sflag:$0x3] =	stream.indirect.gather [hbm4b:s3+s7], $0x40, s2, s7, $0xb8;
	[tilespmem:$0x14000] =	vst v63  }
0xa7: {  	s4 =	rddreg [dreg:$0xc];
	s5 =	sadd.s32 $0x260, s19  }
0xa8: {  	[tilespmem:s4], [sflag:$0x3] =	stream.indirect.gather [hbm4b:s3+s7], $0x40, s5, s7, $0xb8;
	[tilespmem:$0x14000] =	vst v63  }
0xa9: {  	s9 =	rddreg [dreg:$0xd];
	s2 =	sadd.s32 $0x280, s19  }
0xaa: {  	[tilespmem:s9], [sflag:$0x3] =	stream.indirect.gather [hbm4b:s3+s7], $0x40, s2, s7, $0xb8;
	[tilespmem:$0x14000] =	vst v63  }
0xab: {  	s4 =	rddreg [dreg:$0xe];
	s5 =	sadd.s32 $0x2A0, s19  }
0xac: {  	[tilespmem:s4], [sflag:$0x3] =	stream.indirect.gather [hbm4b:s3+s7], $0x40, s5, s7, $0xb8;
	[tilespmem:$0x14000] =	vst v63  }
0xad: {  	s9 =	rddreg [dreg:$0xf];
	s2 =	sadd.s32 $0x2C0, s19  }
0xae: {  	[tilespmem:s9], [sflag:$0x3] =	stream.indirect.gather [hbm4b:s3+s7], $0x40, s2, s7, $0xb8;
	[tilespmem:$0x14000] =	vst v63  }
0xaf: {  	s4 =	rddreg [dreg:$0x10];
	s5 =	sadd.s32 $0x2E0, s19  }
0xb0: {  	[tilespmem:s4], [sflag:$0x3] =	stream.indirect.gather [hbm4b:s3+s7], $0x40, s5, s7, $0xb8;
	[tilespmem:$0x14000] =	vst v63  }
0xb1: {  	_ =	swait.ge [sflag:s26], $0x4000  }
0xb2: {  	[sflag:s26] =	ssyncset.done $0x0  }
0xb3: {  	s21 =	simm.s32 @!p0 $0x8;
	s9 =	sadd.s32 $0x1000, s14;
	[sflag:s26] =	ssyncadd.s32 $0xFFFFC000  }
0xb4: {  	[hbm4b:s9+s12] =	stream.strided.scatter [tilespmem:s23], [sflag:$0x6], $0x4000, s8, s12, $0x38;
	[tilespmem:$0x14000] =	vst v63  }
0xb5: {  	_ =	swait.ge @!p0 [sflag:s21], $0x4000  }
0xb6: {  	[sflag:s21] =	ssyncset.done @!p0 $0x0  }
0xb7: {  	[sflag:s21] =	ssyncadd.s32 @!p0 $0xFFFFC000;
	s21 =	sadd.s32 $0x300, s19  }
0xb8: {  	[tilespmem:s28], [sflag:$0x4] =	stream.indirect.gather [hbm4b:s3+s7], $0x40, s21, s7, $0xb8;
	[tilespmem:$0x14000] =	vst v63  }
0xb9: {  	s2 =	sadd.s32 $0x320, s19;
	s22 =	rddreg [dreg:$0x11]  }
0xba: {  	[tilespmem:s22], [sflag:$0x4] =	stream.indirect.gather [hbm4b:s3+s7], $0x40, s2, s7, $0xb8;
	[tilespmem:$0x14000] =	vst v63  }
0xbb: {  	s5 =	sadd.s32 $0x340, s19;
	s4 =	rddreg [dreg:$0x12]  }
0xbc: {  	[tilespmem:s4], [sflag:$0x4] =	stream.indirect.gather [hbm4b:s3+s7], $0x40, s5, s7, $0xb8;
	[tilespmem:$0x14000] =	vst v63  }
0xbd: {  	s9 =	rddreg [dreg:$0x13];
	s2 =	sadd.s32 $0x360, s19  }
0xbe: {  	[tilespmem:s9], [sflag:$0x4] =	stream.indirect.gather [hbm4b:s3+s7], $0x40, s2, s7, $0xb8;
	[tilespmem:$0x14000] =	vst v63  }
0xbf: {  	s4 =	rddreg [dreg:$0x14];
	s5 =	sadd.s32 $0x380, s19  }
0xc0: {  	[tilespmem:s4], [sflag:$0x4] =	stream.indirect.gather [hbm4b:s3+s7], $0x40, s5, s7, $0xb8;
	[tilespmem:$0x14000] =	vst v63  }
0xc1: {  	s9 =	rddreg [dreg:$0x15];
	s2 =	sadd.s32 $0x3A0, s19  }
0xc2: {  	[tilespmem:s9], [sflag:$0x4] =	stream.indirect.gather [hbm4b:s3+s7], $0x40, s2, s7, $0xb8;
	[tilespmem:$0x14000] =	vst v63  }
0xc3: {  	s4 =	rddreg [dreg:$0x16];
	s5 =	sadd.s32 $0x3C0, s19  }
0xc4: {  	[tilespmem:s4], [sflag:$0x4] =	stream.indirect.gather [hbm4b:s3+s7], $0x40, s5, s7, $0xb8;
	[tilespmem:$0x14000] =	vst v63  }
0xc5: {  	s19 =	sadd.s32 $0x3E0, s19;
	s9 =	rddreg [dreg:$0x17]  }
0xc6: {  	[tilespmem:s9], [sflag:$0x4] =	stream.indirect.gather [hbm4b:s3+s7], $0x40, s19, s7, $0xb8;
	[tilespmem:$0x14000] =	vst v63  }
0xc7: {  	p2 =	seq.s32 s16, $0x0;
	_ =	swait.ge [sflag:s29], $0x4000  }
0xc8: {  	p0 =	por p2, p2;
	p2 =	seq.s32 s15, $0xF000;
	[sflag:s29] =	ssyncset.done $0x0  }
0xc9: {  	s22 =	sadd.s32 $0x2000, s14;
	s19 =	simm.s32 @!p2 $0x5;
	[sflag:s29] =	ssyncadd.s32 $0xFFFFC000  }
0xca: {  	[hbm4b:s22+s12] =	stream.strided.scatter [tilespmem:s25], [sflag:$0x7], $0x4000, s8, s12, $0x38;
	[tilespmem:$0x14000] =	vst v63  }
0xcb: {  	s18 =	smov.u32 s16;
	s20 =	sshra.s32 @!p2 s15, $0x2;
	_ =	swait.ge @!p2 [sflag:s19], $0x4000  }
0xcc: {  	s15 =	smov.u32 s18;
	s18 =	sadd.s32 @!p2 $0x400, s20;
	[sflag:s19] =	ssyncset.done @!p2 $0x0  }
0xcd: {  	s2 =	simm.s32 @!p2 $0x4000;
	s22 =	simm.s32 @!p2 $0x20;
	[sflag:s19] =	ssyncadd.s32 @!p2 $0xFFFFC000  }
0xce: {  	[tilespmem:s2], [sflag:$0x1] =	stream.indirect.gather @!p2 [hbm4b:s3+s22], $0x40, s18, s22, $0xb8;
	[tilespmem:$0x14000] =	vst v63  }
0xcf: {  	s21 =	sadd.s32 @!p2 $0x420, s20;
	s19 =	simm.s32 @!p2 $0x4800  }
0xd0: {  	[tilespmem:s19], [sflag:$0x1] =	stream.indirect.gather @!p2 [hbm4b:s3+s22], $0x40, s21, s22, $0xb8;
	[tilespmem:$0x14000] =	vst v63  }
0xd1: {  	s4 =	sadd.s32 @!p2 $0x440, s20;
	s2 =	simm.s32 @!p2 $0x5000  }
0xd2: {  	[tilespmem:s2], [sflag:$0x1] =	stream.indirect.gather @!p2 [hbm4b:s3+s22], $0x40, s4, s22, $0xb8;
	[tilespmem:$0x14000] =	vst v63  }
0xd3: {  	s18 =	sadd.s32 @!p2 $0x460, s20;
	s19 =	simm.s32 @!p2 $0x5800  }
0xd4: {  	[tilespmem:s19], [sflag:$0x1] =	stream.indirect.gather @!p2 [hbm4b:s3+s22], $0x40, s18, s22, $0xb8;
	[tilespmem:$0x14000] =	vst v63  }
0xd5: {  	s5 =	sadd.s32 @!p2 $0x480, s20;
	s2 =	simm.s32 @!p2 $0x6000  }
0xd6: {  	[tilespmem:s2], [sflag:$0x1] =	stream.indirect.gather @!p2 [hbm4b:s3+s22], $0x40, s5, s22, $0xb8;
	[tilespmem:$0x14000] =	vst v63  }
0xd7: {  	s16 =	sadd.s32 $0x1000, s16;
	s21 =	sadd.s32 @!p2 $0x4A0, s20;
	s18 =	simm.s32 @!p2 $0x6800  }
0xd8: {  	[tilespmem:s18], [sflag:$0x1] =	stream.indirect.gather @!p2 [hbm4b:s3+s22], $0x40, s21, s22, $0xb8;
	[tilespmem:$0x14000] =	vst v63  }
0xd9: {  	p1 =	sne.s32 s16, $0x10000;
	s9 =	sadd.s32 @!p2 $0x4C0, s20;
	s2 =	simm.s32 @!p2 $0x7000  }
0xda: {  	[tilespmem:s2], [sflag:$0x1] =	stream.indirect.gather @!p2 [hbm4b:s3+s22], $0x40, s9, s22, $0xb8;
	[tilespmem:$0x14000] =	vst v63  }
.Ltmp0:
0xdb: {  	_ = 	snop;
	(pc) =	sbr.rel @p1 .LBB2_2-.Ltmp0, $4  }
0xdc: {  	s4 =	sadd.s32 @!p2 $0x4E0, s20;
	s5 =	simm.s32 @!p2 $0x7800  }
0xdd: {  	[tilespmem:s5], [sflag:$0x1] =	stream.indirect.gather @!p2 [hbm4b:s3+s22], $0x40, s4, s22, $0xb8;
	[tilespmem:$0x14000] =	vst v63  }
0xde: {  	s17 =	smov.u32 s14;
	s14 =	sadd.s32 $0x4000, s14;
	_ =	swait.ge [sflag:s30], $0x4000  }
0xdf: {  	s20 =	simm.s32 @!p0 $0x6;
	s19 =	sadd.s32 $0x3000, s17;
	[sflag:s30] =	ssyncset.done $0x0  }
0xe0: {  	[sflag:s30] =	ssyncadd.s32 $0xFFFFC000  }
0xe1: {  	[hbm4b:s19+s12] =	stream.strided.scatter [tilespmem:s28], [sflag:$0x8], $0x4000, s8, s12, $0x38;
	[tilespmem:$0x14000] =	vst v63  }
0xe2: {  	_ =	swait.ge @!p0 [sflag:s20], $0x4000  }
0xe3: {  	s16 =	sshra.s32 s15, $0x2;
	[sflag:s20] =	ssyncset.done @!p0 $0x0  }
0xe4: {  	s2 =	sadd.s32 $0x100, s16;
	[sflag:s20] =	ssyncadd.s32 @!p0 $0xFFFFC000  }
0xe5: {  	[tilespmem:s23], [sflag:$0x2] =	stream.indirect.gather [hbm4b:s3+s7], $0x40, s2, s7, $0xb8;
	[tilespmem:$0x14000] =	vst v63  }
0xe6: {  	s9 =	sadd.s32 $0x120, s16;
	s4 =	rddreg [dreg:$0x3]  }
0xe7: {  	[tilespmem:s4], [sflag:$0x2] =	stream.indirect.gather [hbm4b:s3+s7], $0x40, s9, s7, $0xb8;
	[tilespmem:$0x14000] =	vst v63  }
0xe8: {  	s17 =	sadd.s32 $0x140, s16;
	s5 =	rddreg [dreg:$0x4]  }
0xe9: {  	[tilespmem:s5], [sflag:$0x2] =	stream.indirect.gather [hbm4b:s3+s7], $0x40, s17, s7, $0xb8;
	[tilespmem:$0x14000] =	vst v63  }
0xea: {  	s19 =	sadd.s32 $0x160, s16;
	s18 =	rddreg [dreg:$0x5]  }
0xeb: {  	[tilespmem:s18], [sflag:$0x2] =	stream.indirect.gather [hbm4b:s3+s7], $0x40, s19, s7, $0xb8;
	[tilespmem:$0x14000] =	vst v63  }
0xec: {  	s21 =	sadd.s32 $0x180, s16;
	s20 =	rddreg [dreg:$0x6]  }
0xed: {  	[tilespmem:s20], [sflag:$0x2] =	stream.indirect.gather [hbm4b:s3+s7], $0x40, s21, s7, $0xb8;
	[tilespmem:$0x14000] =	vst v63  }
0xee: {  	s22 =	rddreg [dreg:$0x7];
	s9 =	sadd.s32 $0x1A0, s16  }
0xef: {  	[tilespmem:s22], [sflag:$0x2] =	stream.indirect.gather [hbm4b:s3+s7], $0x40, s9, s7, $0xb8;
	[tilespmem:$0x14000] =	vst v63  }
0xf0: {  	s17 =	rddreg [dreg:$0x8];
	s18 =	sadd.s32 $0x1C0, s16  }
0xf1: {  	[tilespmem:s17], [sflag:$0x2] =	stream.indirect.gather [hbm4b:s3+s7], $0x40, s18, s7, $0xb8;
	[tilespmem:$0x14000] =	vst v63  }
0xf2: {  	s19 =	rddreg [dreg:$0x9];
	s20 =	sadd.s32 $0x1E0, s16  }
0xf3: {  	[tilespmem:s19], [sflag:$0x2] =	stream.indirect.gather [hbm4b:s3+s7], $0x40, s20, s7, $0xb8;
	[tilespmem:$0x14000] =	vst v63  }
0xf4: {  	_ =	swait.ge [sflag:s24], $0x4000  }
0xf5: {  	[sflag:s24] =	ssyncset.done $0x0  }
0xf6: {  	s2 =	simm.s32 @!p0 $0x7;
	[sflag:s24] =	ssyncadd.s32 $0xFFFFC000  }
0xf7: {  	[hbm4b:s14+s12] =	stream.strided.scatter [tilespmem:s10], [sflag:$0x5], $0x4000, s8, s12, $0x38;
	[tilespmem:$0x14000] =	vst v63  }
0xf8: {  	_ =	swait.ge @!p0 [sflag:s2], $0x4000  }
0xf9: {  	[sflag:s2] =	ssyncset.done @!p0 $0x0  }
0xfa: {  	s21 =	sadd.s32 $0x200, s16;
	[sflag:s2] =	ssyncadd.s32 @!p0 $0xFFFFC000  }
0xfb: {  	[tilespmem:s25], [sflag:$0x3] =	stream.indirect.gather [hbm4b:s3+s7], $0x40, s21, s7, $0xb8;
	[tilespmem:$0x14000] =	vst v63  }
0xfc: {  	s5 =	sadd.s32 $0x220, s16;
	s22 =	rddreg [dreg:$0xa]  }
0xfd: {  	[tilespmem:s22], [sflag:$0x3] =	stream.indirect.gather [hbm4b:s3+s7], $0x40, s5, s7, $0xb8;
	[tilespmem:$0x14000] =	vst v63  }
0xfe: {  	s17 =	sadd.s32 $0x240, s16;
	s9 =	rddreg [dreg:$0xb]  }
0xff: {  	[tilespmem:s9], [sflag:$0x3] =	stream.indirect.gather [hbm4b:s3+s7], $0x40, s17, s7, $0xb8;
	[tilespmem:$0x14000] =	vst v63  }
0x100: {  	s19 =	sadd.s32 $0x260, s16;
	s18 =	rddreg [dreg:$0xc]  }
0x101: {  	[tilespmem:s18], [sflag:$0x3] =	stream.indirect.gather [hbm4b:s3+s7], $0x40, s19, s7, $0xb8;
	[tilespmem:$0x14000] =	vst v63  }
0x102: {  	s20 =	rddreg [dreg:$0xd];
	s21 =	sadd.s32 $0x280, s16  }
0x103: {  	[tilespmem:s20], [sflag:$0x3] =	stream.indirect.gather [hbm4b:s3+s7], $0x40, s21, s7, $0xb8;
	[tilespmem:$0x14000] =	vst v63  }
0x104: {  	s22 =	rddreg [dreg:$0xe];
	s5 =	sadd.s32 $0x2A0, s16  }
0x105: {  	[tilespmem:s22], [sflag:$0x3] =	stream.indirect.gather [hbm4b:s3+s7], $0x40, s5, s7, $0xb8;
	[tilespmem:$0x14000] =	vst v63  }
0x106: {  	s9 =	rddreg [dreg:$0xf];
	s17 =	sadd.s32 $0x2C0, s16  }
0x107: {  	[tilespmem:s9], [sflag:$0x3] =	stream.indirect.gather [hbm4b:s3+s7], $0x40, s17, s7, $0xb8;
	[tilespmem:$0x14000] =	vst v63  }
0x108: {  	s18 =	rddreg [dreg:$0x10];
	s19 =	sadd.s32 $0x2E0, s16  }
0x109: {  	[tilespmem:s18], [sflag:$0x3] =	stream.indirect.gather [hbm4b:s3+s7], $0x40, s19, s7, $0xb8;
	[tilespmem:$0x14000] =	vst v63  }
0x10a: {  	_ =	swait.ge [sflag:s26], $0x4000  }
0x10b: {  	[sflag:s26] =	ssyncset.done $0x0  }
0x10c: {  	s4 =	simm.s32 @!p0 $0x8;
	s20 =	sadd.s32 $0x1000, s14;
	[sflag:s26] =	ssyncadd.s32 $0xFFFFC000  }
0x10d: {  	[hbm4b:s20+s12] =	stream.strided.scatter [tilespmem:s23], [sflag:$0x6], $0x4000, s8, s12, $0x38;
	[tilespmem:$0x14000] =	vst v63  }
0x10e: {  	_ =	swait.ge @!p0 [sflag:s4], $0x4000  }
0x10f: {  	[sflag:s4] =	ssyncset.done @!p0 $0x0  }
0x110: {  	s21 =	sadd.s32 $0x300, s16;
	[sflag:s4] =	ssyncadd.s32 @!p0 $0xFFFFC000  }
0x111: {  	[tilespmem:s28], [sflag:$0x4] =	stream.indirect.gather [hbm4b:s3+s7], $0x40, s21, s7, $0xb8;
	[tilespmem:$0x14000] =	vst v63  }
0x112: {  	s5 =	sadd.s32 $0x320, s16;
	s22 =	rddreg [dreg:$0x11]  }
0x113: {  	[tilespmem:s22], [sflag:$0x4] =	stream.indirect.gather [hbm4b:s3+s7], $0x40, s5, s7, $0xb8;
	[tilespmem:$0x14000] =	vst v63  }
0x114: {  	s17 =	sadd.s32 $0x340, s16;
	s9 =	rddreg [dreg:$0x12]  }
0x115: {  	[tilespmem:s9], [sflag:$0x4] =	stream.indirect.gather [hbm4b:s3+s7], $0x40, s17, s7, $0xb8;
	[tilespmem:$0x14000] =	vst v63  }
0x116: {  	s19 =	sadd.s32 $0x360, s16;
	s18 =	rddreg [dreg:$0x13]  }
0x117: {  	[tilespmem:s18], [sflag:$0x4] =	stream.indirect.gather [hbm4b:s3+s7], $0x40, s19, s7, $0xb8;
	[tilespmem:$0x14000] =	vst v63  }
0x118: {  	s20 =	rddreg [dreg:$0x14];
	s21 =	sadd.s32 $0x380, s16  }
0x119: {  	[tilespmem:s20], [sflag:$0x4] =	stream.indirect.gather [hbm4b:s3+s7], $0x40, s21, s7, $0xb8;
	[tilespmem:$0x14000] =	vst v63  }
0x11a: {  	s22 =	rddreg [dreg:$0x15];
	s5 =	sadd.s32 $0x3A0, s16  }
0x11b: {  	[tilespmem:s22], [sflag:$0x4] =	stream.indirect.gather [hbm4b:s3+s7], $0x40, s5, s7, $0xb8;
	[tilespmem:$0x14000] =	vst v63  }
0x11c: {  	s9 =	rddreg [dreg:$0x16];
	s17 =	sadd.s32 $0x3C0, s16  }
0x11d: {  	[tilespmem:s9], [sflag:$0x4] =	stream.indirect.gather [hbm4b:s3+s7], $0x40, s17, s7, $0xb8;
	[tilespmem:$0x14000] =	vst v63  }
0x11e: {  	s18 =	rddreg [dreg:$0x17];
	s19 =	sadd.s32 $0x3E0, s16  }
0x11f: {  	[tilespmem:s18], [sflag:$0x4] =	stream.indirect.gather [hbm4b:s3+s7], $0x40, s19, s7, $0xb8;
	[tilespmem:$0x14000] =	vst v63  }
0x120: {  	_ =	swait.ge [sflag:s29], $0x4000  }
0x121: {  	p0 =	seq.s32 s15, $0xF000;
	[sflag:s29] =	ssyncset.done $0x0  }
0x122: {  	s2 =	simm.s32 @!p0 $0x5;
	s20 =	sadd.s32 $0x2000, s14;
	[sflag:s29] =	ssyncadd.s32 $0xFFFFC000  }
0x123: {  	[hbm4b:s20+s12] =	stream.strided.scatter [tilespmem:s25], [sflag:$0x7], $0x4000, s8, s12, $0x38;
	[tilespmem:$0x14000] =	vst v63  }
0x124: {  	s4 =	sshra.s32 @!p0 s15, $0x2;
	_ =	swait.ge @!p0 [sflag:s2], $0x4000  }
0x125: {  	s5 =	sadd.s32 @!p0 $0x400, s4;
	[sflag:s2] =	ssyncset.done @!p0 $0x0  }
0x126: {  	s9 =	simm.s32 @!p0 $0x20;
	[sflag:s2] =	ssyncadd.s32 @!p0 $0xFFFFC000;
	s2 =	simm.s32 @!p0 $0x4000  }
0x127: {  	[tilespmem:s2], [sflag:$0x1] =	stream.indirect.gather @!p0 [hbm4b:s3+s9], $0x40, s5, s9, $0xb8;
	[tilespmem:$0x14000] =	vst v63  }
0x128: {  	s2 =	sadd.s32 @!p0 $0x420, s4;
	s5 =	simm.s32 @!p0 $0x4800  }
0x129: {  	[tilespmem:s5], [sflag:$0x1] =	stream.indirect.gather @!p0 [hbm4b:s3+s9], $0x40, s2, s9, $0xb8;
	[tilespmem:$0x14000] =	vst v63  }
0x12a: {  	s2 =	sadd.s32 @!p0 $0x440, s4;
	s5 =	simm.s32 @!p0 $0x5000  }
0x12b: {  	[tilespmem:s5], [sflag:$0x1] =	stream.indirect.gather @!p0 [hbm4b:s3+s9], $0x40, s2, s9, $0xb8;
	[tilespmem:$0x14000] =	vst v63  }
0x12c: {  	s2 =	sadd.s32 @!p0 $0x460, s4;
	s5 =	simm.s32 @!p0 $0x5800  }
0x12d: {  	[tilespmem:s5], [sflag:$0x1] =	stream.indirect.gather @!p0 [hbm4b:s3+s9], $0x40, s2, s9, $0xb8;
	[tilespmem:$0x14000] =	vst v63  }
0x12e: {  	s2 =	sadd.s32 @!p0 $0x480, s4;
	s5 =	simm.s32 @!p0 $0x6000  }
0x12f: {  	[tilespmem:s5], [sflag:$0x1] =	stream.indirect.gather @!p0 [hbm4b:s3+s9], $0x40, s2, s9, $0xb8;
	[tilespmem:$0x14000] =	vst v63  }
0x130: {  	s2 =	sadd.s32 @!p0 $0x4A0, s4;
	s5 =	simm.s32 @!p0 $0x6800  }
0x131: {  	[tilespmem:s5], [sflag:$0x1] =	stream.indirect.gather @!p0 [hbm4b:s3+s9], $0x40, s2, s9, $0xb8;
	[tilespmem:$0x14000] =	vst v63  }
0x132: {  	s2 =	sadd.s32 @!p0 $0x4C0, s4;
	s5 =	simm.s32 @!p0 $0x7000  }
0x133: {  	[tilespmem:s5], [sflag:$0x1] =	stream.indirect.gather @!p0 [hbm4b:s3+s9], $0x40, s2, s9, $0xb8;
	[tilespmem:$0x14000] =	vst v63  }
0x134: {  	s2 =	sadd.s32 @!p0 $0x4E0, s4;
	s4 =	simm.s32 @!p0 $0x7800  }
0x135: {  	[tilespmem:s4], [sflag:$0x1] =	stream.indirect.gather @!p0 [hbm4b:s3+s9], $0x40, s2, s9, $0xb8;
	[tilespmem:$0x14000] =	vst v63  }
0x136: {  	_ =	swait.ge [sflag:s30], $0x4000  }
0x137: {  	[sflag:s30] =	ssyncset.done $0x0  }
0x138: {  	s21 =	sadd.s32 $0x3000, s14;
	[sflag:s30] =	ssyncadd.s32 $0xFFFFC000  }
0x139: {  	[hbm4b:s21+s12] =	stream.strided.scatter [tilespmem:s28], [sflag:$0x8], $0x4000, s8, s12, $0x38;
	[tilespmem:$0x14000] =	vst v63  }
0x13a: {  	_ =	swait.ge [sflag:s31], $0x4000  }
0x13b: {  	[sflag:s31] =	ssyncset.done $0x0  }
0x13c: {  	[sflag:s31] =	ssyncadd.s32 $0xFFFFC000  }
0x13d: {  	_ =	swait.ge [sflag:s0], $0x4000  }
0x13e: {  	[sflag:s0] =	ssyncset.done $0x0  }
0x13f: {  	[sflag:s0] =	ssyncadd.s32 $0xFFFFC000  }
0x140: {  	_ =	swait.ge [sflag:s1], $0x4000  }
0x141: {  	[sflag:s1] =	ssyncset.done $0x0  }
0x142: {  	[sflag:s1] =	ssyncadd.s32 $0xFFFFC000  }
0x143: {  	_ =	swait.ge [sflag:s11], $0x4000  }
0x144: {  	s13 =	sadd.s32 $0x1, s13;
	s22 =	rddreg [dreg:$0x19]  }
0x145: {  	p0 =	sne.s32 s13, s22  }
.Ltmp1:
0x146: {  	_ = 	snop;
	(pc) =	sbr.rel @p0 .LBB2_1-.Ltmp1, $3  }
0x147: {  	_ =	sdelay $0x1  }
0x148: {  	[sflag:s11] =	ssyncset.done $0x0  }
0x149: {  	[sflag:s11] =	ssyncadd.s32 $0xFFFFC000  }
0x14a: {  	_ =	sfence.sel $0x180000  }
0x14b: {  	[bflag:$0x0] =	sbarrier.arrive $0xFFFF  }
0x14c: {  	_ =	strace $0x90000047  }
0x14d: {  	s0 =	stileid.u32;
	[bflag:$0x2] =	sbarrier.arrive $0xFFFF  }
0x14e: {  	p0 =	sne.s32 s0, $0x0;
	s0 =	rddreg [dreg:$0x2]  }
0x14f: {  	s0 =	sadd.s32 @!p0 $0x100000, s0  }
0x150: {  	[sflag:s0] =	ssyncadd.tile.s32 @!p0 $0x1;
	_ =	shalt  }
.Lfunc_end2:
_tile_overlayer_lowered:
.L_overlay_start_2:
0x151: {  	(tag) =	ssettag $0x2  }
0x152: {  	s0 =	rddreg [dreg:$0x0];
	s2 =	stileid.u32  }
0x153: {  	s1 =	rddreg [dreg:$0x1];
	p0 =	sne.s32 s2, $0x0  }
0x154: {  	s3 =	rddreg [dreg:$0x2];
	[bflag:$0x3] =	sbarrier.arrive $0xFFFF;
	s2 =	simm.s32 @!p0 $0x1C09  }
0x155: {  	[timem:s3], [sflag:s2] =	dma.local @!p0 [hbm:s0], s1  }
0x156: {  	s0 =	simm.s32 @!p0 $0x9  }
0x157: {  	_ =	swait.ge @!p0 [sflag:s0], s1  }
0x158: {  	s1 =	ssub.s32 @!p0 $0x0, s1;
	[sflag:s0] =	ssyncset.done @!p0 $0x0  }
0x159: {  	[sflag:s0] =	ssyncadd.s32 @!p0 s1  }
0x15a: {  	[bflag:$0x3] =	sbarrier.arrive $0xFFFF  }
0x15b: {  	_ =	shalt  }

// kernel: sparse-core-data-format-call.cloned.1.call-start
scs
called_computation_lowered:
.L_overlay_start_0:
0x0: {  	s2 =	sld [smem:$0x3FD9]  }
0x1: {  	s3 =	sld [smem:$0x3FFE];
	_ =	sdelay $0x1  }
0x2: {  	s1 =	srdreg.scid  }
0x3: {  	s0 =	sand.u32 $0x1, s1  }
0x4: {  	s18 =	sshll.u32 s0, $0xA;
	s2 =	sadd.s32 s3, s2  }
0x5: {  	s2 =	sadd.s32 s2, s18  }
0x6: {  	[smem:$0x3FC6] =	sst s2  }
0x7: {  	_ = 	snop  }
0x8: {  	s2 =	sld [smem:$0x3FD0];
	(tm) =	ssettm $0x1  }
0x9: {  	s19 =	sld [smem:$0x3FFB];
	_ =	sdelay $0x3  }
0xa: {  	_ =	strace s19  }
0xb: {  	s3 =	sld [smem:$0x3FFC];
	_ =	sdelay $0x3  }
0xc: {  	_ =	strace s3  }
0xd: {  	s3 =	sld [smem:$0x3FFD];
	_ =	sdelay $0x3  }
0xe: {  	_ =	strace s3  }
0xf: {  	_ =	strace $0x8FFFFFFF  }
0x10: {  	s20 =	sld [smem:$0x3FDB];
	_ =	sdelay $0x1  }
0x11: {  	s4 =	simm.s32 $_scs_section_size  }
0x12: {  	s5 =	simm.s32 $_size__tile_overlayer_lowered;
	s6 =	simm.s32 $_tile_overlayer_lowered  }
0x13: {  	s23 =	simm.s32 $0x1BFF;
	s22 =	sshll.u32 s6, $0x1;
	s3 =	sadd.s32 s4, s20  }
0x14: {  	s7 =	simm.s32 $0x0;
	s21 =	sshll.u32 s5, $0x1;
	s5 =	sadd.s32 s22, s3  }
0x15: {  	[timem:s7], [sflag:s23] =	dma.local [hbm:s5], s21  }
0x16: {  	_ =	swait.ge [sflag:s23], s21  }
0x17: {  	s4 =	ssub.s32 $0x0, s21;
	[sflag:s23] =	ssyncset.done $0x0  }
0x18: {  	[sflag:s23] =	ssyncadd.s32 s4;
	_ =	sdelay $0x1  }
0x19: {  	s24 =	simm.s32 $0x1B8B  }
0x1a: {  	_ =	swait.ge [sflag:s24], $0x1  }
0x1b: {  	[sflag:s24] =	ssyncset.done $0x0  }
0x1c: {  	s26 =	simm.s32 $0x1B8E;
	s25 =	sld [smem:$0x3FFE];
	[sflag:s24] =	ssyncadd.s32 $0xFFFFFFFF  }
0x1d: {  	s27 =	simm.s32 $execute0_lowered;
	[smem:$0x3FD2] =	sst s26  }
0x1e: {  	s5 =	sshll.u32 s27, $0x1;
	_ =	strace $0x80000049;
	[dreg:$0x1] =	wrdreg $0xFFFFFFFF  }
0x1f: {  	s28 =	simm.s32 $_size_execute0_lowered;
	s3 =	sadd.s32 s3, s5;
	[dreg:$0x0] =	wrdreg $0x0  }
0x20: {  	s5 =	sshll.u32 s28, $0x1;
	[dreg:$0x2] =	wrdreg s3  }
0x21: {  	[dreg:$0x3] =	wrdreg s5  }
0x22: {  	[dreg:$0x4] =	wrdreg $0xC0  }
0x23: {  	_ =	task [dreg:s7], $0x5FFFF  }
0x24: {  	[dreg:$0x1] =	wrdreg $0xFFFFFFFF  }
0x25: {  	[dreg:$0x0] =	wrdreg $0x60  }
0x26: {  	[dreg:$0x2] =	wrdreg s25  }
0x27: {  	[dreg:$0x3] =	wrdreg s2  }
0x28: {  	[dreg:$0x4] =	wrdreg $0x9  }
0x29: {  	_ =	task.clear_ibuf [dreg:s7], $0x5FFFF;
	_ =	strace $0x90000049  }
0x2a: {  	s29 =	simm.s32 $0x9;
	_ =	strace $0x8000004B  }
0x2b: {  	_ =	swait.ge [sflag:s29], $0x1  }
0x2c: {  	[sflag:s29] =	ssyncadd.s32 $0xFFFFFFFF  }
0x2d: {  	_ =	strace $0x9000004B  }
0x2e: {  	_ =	sfence  }
0x2f: {  	s30 =	sld [smem:$0x0];
	_ =	sdelay $0x2  }
0x30: {  	s31 =	sshll.u32 s1, $0xD;
	s1 =	sshrl.u32 s1, $0x2  }
0x31: {  	s3 =	sand.u32 $0x4000, s31;
	s1 =	sadd.s32 s1, s30  }
0x32: {  	s0 =	sor.u32 s3, s0;
	s1 =	sshll.u32 s1, $0x11  }
0x33: {  	s0 =	sor.u32 s1, s0  }
0x34: {  	s0 =	sadd.s32 $0x8F2B, s0  }
0x35: {  	[sflag:s0] =	ssyncadd.remote.s32 $0x1  }
0x36: {  	_ =	sfence.sel $0xFFFF  }
0x37: {  	[dreg:$0x0] =	wrdreg $0xFFFFFFFF;
	(pc) =	sbr.abs _section_cstart, $3  }
0x38: {  	[dreg:$0x1] =	wrdreg $0xFFFFFFFF  }
0x39: {  	_ =	task.clear_ibuf [dreg:s7], $0x2FFFF;
	_ =	strace $0x9FFFFFFF  }
0x3a: {  	(tm) =	ssettm $0x7FFFFFFF  }
0x3b: {  	_ =	shalt  }
tec
execute0_lowered:
.L_overlay_start_1:
0x0: {  	(tag) =	ssettag $0x1  }
0x1: {  	s0 =	srdreg.scid  }
0x2: {  	s1 =	sshll.u32 s0, $0x4  }
0x3: {  	s0 =	stileid.u32;
	s1 =	sand.u32 $0x10, s1  }
0x4: {  	s1 =	sor.u32 s0, s1  }
0x5: {  	s6 =	rddreg [dreg:$0x0];
	s4 =	simm.s32 $0x1;
	s2 =	sshll.u32 s1, $0x7  }
0x6: {  	s7 =	simm.s32 $0x2;
	s12 =	simm.s32 $0x0;
	s1 =	ssub.s32 $0x4000, s2  }
0x7: {  	s8 =	simm.s32 $0x20000;
	s13 =	simm.s32 $0x0;
	s3 =	sand.u32 $0xF80, s1  }
0x8: {  	s9 =	simm.s32 $0x0;
	s5 =	sshrl.u32 s1, $0xC;
	p0 =	sne.s32 s3, $0x0  }
.Ltmp0:
0x9: {  	s1 =	rddreg [dreg:$0x2];
	s4 =	simm.s32 @!p0 $0x0;
	(pc) =	sbr.rel .LBB1_1-.Ltmp0, $4  }
0xa: {  	s11 =	simm.s32 $0x0;
	s3 =	rddreg [dreg:$0x1];
	s5 =	sadd.s32 s4, s5  }
0xb: {  	_ =	strace $0x8000004A;
	s4 =	simm.s32 $0x1;
	s5 =	smul.u32 $0x1A, s5  }
0xc: {  	s6 =	sadd.s32 $0xE00, s6;
	s10 =	smov.u32 s2;
	[sflag:s4] =	ssyncpa.u1 $0x0  }
0xd: {  	p0 =	por $0x0, $0x0;
	[sflag:s7] =	ssyncpa.u1 $0x0;
	s7 =	sor.u32 $0x1, s5  }
.LBB1_4:
0xe: {  	s16 =	sshll.u32 s13, $0x3;
	s17 =	sand.u32 $0x78, s13  }
0xf: {  	s30 =	sand.u32 $0x1F800, s13;
	s12 =	sshll.u32 s12, $0x11;
	s16 =	sand.u32 $0x3C00, s16  }
0x10: {  	[tilespmem:s15+$0x810 ss:$0x81] =	vst.msk $0xffff, v2;
	s31 =	sand.u32 $0x7, s13;
	s16 =	sor.u32 s17, s16;
	s17 =	sadd.s32 s3, s30  }
0x11: {  	[tilespmem:s15+$0x1020 ss:$0x81] =	vst.msk $0xffff, v0;
	s13 =	sshll.u32 s31, $0x12;
	s12 =	sadd.s32 s12, s17;
	s16 =	sshrl.u32 s16, $0x3  }
0x12: {  	[tilespmem:s15+$0x0 ss:$0x81] =	vst.msk $0xffff, v1;
	s13 =	sor.u32 $0x400, s13;
	s12 =	sadd.s32 s16, s12  }
0x13: {  	[hbm4b:s12+s13] =	stream.strided.scatter [tilespmem:s14], [sflag:$0x2], $0x2000, s8, s13, $0x20;
	[tilespmem:$0x8080] =	vst v63  }
.LBB1_5:
0x14: {  	s14 =	sadd.s32 $0x1, s9  }
0x15: {  	s12 =	sadd.s32 $0x1000, s10;
	s16 =	smov.u32 s10;
	p2 =	sgt.s32 s14, $0x19  }
0x16: {  	s16 =	smov.u32 @p2 s12  }
0x17: {  	s14 =	simm.s32 @p2 $0x0;
	p2 =	sgt.s32 s16, $0x3FFF  }
0x18: {  	s16 =	smov.u32 @p2 s2;
	p2 =	sne.s32 s11, s7  }
.Ltmp1:
0x19: {  	p1 =	slt.u32 s11, $0x2;
	(pc) =	sbr.rel @!p2 .LBB1_6-.Ltmp1, $4  }
0x1a: {  	s15 =	simm.s32 @!p1 $0x2  }
0x1b: {  	s13 =	smov.u32 s10;
	p0 =	por !p0, !p0;
	_ =	swait.ge @!p1 [sflag:s15], $0x2000  }
0x1c: {  	s12 =	smov.u32 s9;
	[sflag:s15] =	ssyncset.done @!p1 $0x0;
	s9 =	smov.u32 s14  }
0x1d: {  	s11 =	sadd.s32 $0x1, s11;
	[sflag:s15] =	ssyncadd.s32 @!p1 $0xFFFFE000;
	s10 =	smov.u32 s16  }
.LBB1_1:
0x1e: {  	p1 =	sge.u32 s11, s5  }
0x1f: {  	s31 =	sadd.s32 $0xFFFFFFFF, s11;
	s14 =	sxor.u32 @!p1 $0xFFFFFFFF, s11  }
0x20: {  	s15 =	sshll.u32 @!p1 s10, $0x9;
	s16 =	sshll.u32 @!p1 s9, $0x4;
	s17 =	simm.s32 @!p1 $0x1000  }
0x21: {  	s14 =	sshll.u32 @!p1 s14, $0xD;
	s16 =	sand.u32 @!p1 $0x1F0, s16;
	s15 =	sadd.s32 @!p1 s6, s15  }
0x22: {  	s14 =	sand.u32 @!p1 $0x2000, s14;
	s15 =	sadd.s32 @!p1 s16, s15;
	s16 =	simm.s32 @!p1 $0x40  }
0x23: {  	[tilespmem:s14], [sflag:$0x1] =	stream.strided.gather @!p1 [hbm4b:s15+s16], $0x2000, s17, s16, $0x38;
	[tilespmem:$0x8080] =	vst v63  }
0x24: {  	p1 =	sge.u32 s31, s5  }
.Ltmp2:
0x25: {  	_ = 	snop;
	(pc) =	sbr.rel @p1 .LBB1_5-.Ltmp2, $1  }
0x26: {  	_ =	sdelay $0x3  }
0x27: {  	s14 =	simm.s32 $0x1  }
0x28: {  	_ =	swait.ge [sflag:s4], $0x2000;
	s14 =	simm.s32 @!p0 $0x0  }
0x29: {  	[sflag:s4] =	ssyncset.done $0x0;
	s15 =	sshll.u32 s14, $0xD  }
0x2a: {  	[sflag:s4] =	ssyncadd.s32 $0xFFFFE000;
	s18 =	sor.u32 $0x20, s15  }
0x2b: {  	s14 =	smul.u32 $0x8100, s14;
	v3 =	vld [tilespmem:s18+$0x10]  }
0x2c: {  	s30 =	sand.u32 $0x1, s11;
	v2 =	vld [tilespmem:s18+$0xFFFFFFF0]  }
0x2d: {  	s15 =	smul.u32 $0x8100, s30;
	s14 =	sshrl.u32 s14, $0x2;
	v0 =	vld [tilespmem:s18+$0x0]  }
0x2e: {  	v1 =	vld [tilespmem:s18+$0xFFFFFFE0];
	s16 =	sor.u32 $0x4000, s14  }
0x2f: {  	s31 =	sshrl.u32 s15, $0x2;
	s15 =	sadd.s32 $0x0, s16  }
0x30: {  	s17 =	simm.s32 $0x4;
	s18 =	sadd.s32 $0x40, s18;
	s14 =	sor.u32 $0x4000, s31;
	[tilespmem:s15+$0x1830 ss:$0x81] =	vst.msk $0xffff, v3  }
.LBB1_3:
0x31: {  	v3 =	vld [tilespmem:s18+$0x10];
	p1 =	sne.s32 s17, $0x1FC;
	[tilespmem:s15+$0x810 ss:$0x81] =	vst.msk $0xffff, v2;
	s19 =	smov.u32 s17;
	s17 =	sadd.s32 $0x4, s17  }
.Ltmp3:
0x32: {  	v2 =	vld [tilespmem:s18+$0xFFFFFFF0];
	[tilespmem:s15+$0x1020 ss:$0x81] =	vst.msk $0xffff, v0;
	(pc) =	sbr.rel @p1 .LBB1_3-.Ltmp3, $4  }
0x33: {  	v0 =	vld [tilespmem:s18+$0x0];
	[tilespmem:s15+$0x0 ss:$0x81] =	vst.msk $0xffff, v1  }
0x34: {  	s15 =	sshra.s32 s19, $0x2;
	v1 =	vld [tilespmem:s18+$0xFFFFFFE0]  }
0x35: {  	s15 =	sadd.s32 s15, s16  }
0x36: {  	s18 =	sadd.s32 $0x40, s18;
	[tilespmem:s15+$0x1830 ss:$0x81] =	vst.msk $0xffff, v3  }
.Ltmp4:
0x37: {  	_ = 	snop;
	(pc) =	sbr.rel .LBB1_4-.Ltmp4, $1  }
0x38: {  	_ =	sdelay $0x3  }
.LBB1_6:
0x39: {  	_ =	sfence.sel $0x180000  }
0x3a: {  	s2 =	simm.s32 $0x1;
	[bflag:$0x0] =	sbarrier.arrive $0xFFFF  }
0x3b: {  	s31 =	simm.s32 $0x2;
	[sflag:s2] =	ssyncpa.u1 $0x1  }
0x3c: {  	[sflag:s31] =	ssyncpa.u1 $0x1  }
0x3d: {  	p0 =	sne.s32 s0, $0x0;
	_ =	strace $0x9000004A  }
0x3e: {  	s0 =	sadd.s32 @!p0 $0x100000, s1;
	[bflag:$0x2] =	sbarrier.arrive $0xFFFF  }
0x3f: {  	[sflag:s0] =	ssyncadd.tile.s32 @!p0 $0x1;
	_ =	shalt  }
.Lfunc_end1:
_tile_overlayer_lowered:
.L_overlay_start_2:
0x40: {  	(tag) =	ssettag $0x2  }
0x41: {  	s0 =	rddreg [dreg:$0x0];
	s2 =	stileid.u32  }
0x42: {  	s1 =	rddreg [dreg:$0x1];
	p0 =	sne.s32 s2, $0x0  }
0x43: {  	s3 =	rddreg [dreg:$0x2];
	[bflag:$0x3] =	sbarrier.arrive $0xFFFF;
	s2 =	simm.s32 @!p0 $0x1C01  }
0x44: {  	[timem:s3], [sflag:s2] =	dma.local @!p0 [hbm:s0], s1  }
0x45: {  	s0 =	simm.s32 @!p0 $0x1  }
0x46: {  	_ =	swait.ge @!p0 [sflag:s0], s1  }
0x47: {  	s1 =	ssub.s32 @!p0 $0x0, s1;
	[sflag:s0] =	ssyncset.done @!p0 $0x0  }
0x48: {  	[sflag:s0] =	ssyncadd.s32 @!p0 s1  }
0x49: {  	[bflag:$0x3] =	sbarrier.arrive $0xFFFF  }
0x4a: {  	_ =	shalt  }

</sc_bundles>
